<compile_context>
chip_gen: v7x
topology: tpu7x:2x2x1
jax: 0.10.2.dev20260603
libtpu: 0.0.44.dev20260713+nightly
codegen_flags: <defaults>
</compile_context>

<pallas_src>
import functools

import jax
import jax.numpy as jnp
from jax import lax
from jax.experimental import pallas as pl
from jax.experimental.pallas import tpu as pltpu
from jax.experimental.pallas import tpu_sc as plsc

_R = 8192
_B = 64
_M = 16
_D = 128
_S = 8
_NEG = -1e30


def _z():
    return jnp.int32(0)


def _f(v):
    return jnp.float32(v)


def _stage1_body(batch_ref, x_ref, w_ref, b_ref, u_ref,
                 scores_ref, t_ref,
                 m_ref, s_ref, cnt_ref):
    i = pl.program_id(0)
    nb = pl.num_programs(0)

    @pl.when(i == 0)
    def _init():
        m_ref[...] = jnp.full_like(m_ref, _f(_NEG))
        s_ref[...] = jnp.zeros_like(s_ref)
        cnt_ref[...] = jnp.zeros_like(cnt_ref)

    x = x_ref[...]
    h = lax.dot_general(x, w_ref[...], (((1,), (1,)), ((), ())),
                        preferred_element_type=jnp.float32)
    h = h + b_ref[...]
    h = _f(0.5) * h * (_f(1.0) + lax.erf(h * _f(0.7071067811865476)))

    bl = batch_ref[0]
    b_lo = jnp.min(bl)
    b_hi = jnp.minimum(jnp.max(bl), jnp.int32(_B - 1))

    b_lo_s = jnp.minimum(b_lo, jnp.int32(_B - _S))
    u_blk = u_ref[pl.ds(b_lo_s, _S)].reshape(_S * _M, _D)
    contrib_all = lax.dot_general(u_blk, h, (((1,), (1,)), ((), ())),
                                  preferred_element_type=jnp.float32)
    jr = bl - b_lo_s
    scoresT = jnp.zeros((_M, _R), jnp.float32)
    for j in range(_S):
        scoresT = jnp.where(jr == j, contrib_all[j * _M:(j + 1) * _M, :],
                            scoresT)

    def assemble(g, acc):
        u_g = u_ref[g]
        contribT = lax.dot_general(u_g, h, (((1,), (1,)), ((), ())),
                                   preferred_element_type=jnp.float32)
        return jnp.where(bl == g, contribT, acc)

    scoresT = lax.fori_loop(b_lo_s + jnp.int32(_S), b_hi + jnp.int32(1),
                            assemble, scoresT)
    scores_ref[...] = scoresT

    c_blk = jnp.max(scoresT, axis=1, keepdims=True)
    e = jnp.exp(scoresT - c_blk)

    iota_b = lax.broadcasted_iota(jnp.int32, (_B, 1), 0)
    ohF = (bl == iota_b).astype(jnp.float32)
    b_sum = lax.dot_general(e, ohF,
                            (((1,), (1,)), ((), ())),
                            preferred_element_type=jnp.float32)
    b_cnt = lax.dot_general(jnp.ones((1, _R), jnp.float32), ohF,
                            (((1,), (1,)), ((), ())),
                            preferred_element_type=jnp.float32)
    present = b_cnt > _f(0.0)
    m_old = m_ref[...]
    m_new = jnp.where(present, jnp.maximum(m_old, c_blk), m_old)
    scale_new = jnp.where(present, jnp.exp(c_blk - m_new), _f(0.0))
    s_ref[...] = s_ref[...] * jnp.exp(m_old - m_new) + b_sum * scale_new
    m_ref[...] = m_new
    cnt_ref[...] = cnt_ref[...] + b_cnt

    @pl.when(i == nb - 1)
    def _finalize():
        cnt = cnt_ref[...]
        n_max = jnp.max(cnt)
        pad = n_max - cnt
        m = m_ref[...]
        r = jnp.where(pad > _f(0.0), jnp.maximum(m, _f(0.0)), m)
        denom = s_ref[...] * jnp.exp(m - r) + pad * jnp.exp(-r)
        t = r + jnp.log(denom)
        t_ref[...] = jnp.concatenate(
            [t, jnp.full((_M, 1), _f(1e30), jnp.float32)], axis=1)


@functools.lru_cache(maxsize=None)
def _make_stage1(n_pad):
    nb = n_pad // _R
    return pl.pallas_call(
        _stage1_body,
        grid=(nb,),
        in_specs=[
            pl.BlockSpec((1, 1, _R), lambda i: (i, _z(), _z())),
            pl.BlockSpec((_R, _D), lambda i: (i, _z())),
            pl.BlockSpec((_D, _D), lambda i: (_z(), _z())),
            pl.BlockSpec((1, _D), lambda i: (_z(), _z())),
            pl.BlockSpec((_B, _M, _D),
                         lambda i: (_z(), _z(), _z())),
        ],
        out_specs=[
            pl.BlockSpec((_M, _R), lambda i: (_z(), i)),
            pl.BlockSpec((_M, _B + 1), lambda i: (_z(), _z())),
        ],
        out_shape=[
            jax.ShapeDtypeStruct((_M, n_pad), jnp.float32),
            jax.ShapeDtypeStruct((_M, _B + 1), jnp.float32),
        ],
        scratch_shapes=[
            pltpu.VMEM((_M, _B), jnp.float32),
            pltpu.VMEM((_M, _B), jnp.float32),
            pltpu.VMEM((1, _B), jnp.float32),
        ],
        compiler_params=pltpu.CompilerParams(
            dimension_semantics=("arbitrary",)),
    )


@functools.lru_cache(maxsize=None)
def _make_stage2(n_pad):
    n_workers = 32
    ch = n_pad // n_workers
    stats = _M * (_B + 1)
    mesh = plsc.VectorSubcoreMesh(core_axis_name="c", subcore_axis_name="s")

    def body(scores_hbm, batch_hbm, t_hbm, out_hbm,
             sc_v, b_v, t_v, o_v):
        wid = lax.axis_index("c") * 16 + lax.axis_index("s")
        base = wid * ch
        pltpu.sync_copy(scores_hbm.at[:, pl.ds(base, ch)], sc_v)
        pltpu.sync_copy(batch_hbm.at[pl.ds(base, ch)], b_v)
        pltpu.sync_copy(t_hbm, t_v)

        def group(g, carry):
            g = g.astype(jnp.int32)
            node0 = g * jnp.int32(16)
            bvec = b_v[pl.ds(node0, 16)]
            parts = [jnp.zeros((16,), jnp.float32) for _ in range(4)]
            for m in range(_M):
                sidx = jnp.int32(m * (_B + 1)) + bvec
                s = sc_v[m, pl.ds(node0, 16)]
                t = plsc.load_gather(t_v, [sidx])
                parts[m % 4] = parts[m % 4] + jnp.exp(s - t)
            acc = (parts[0] + parts[1]) + (parts[2] + parts[3])
            one = _f(1.0)
            sig = one / (one + jnp.exp(-acc))
            o_v[pl.ds(node0, 16)] = jnp.maximum(
                jnp.sign(sig - _f(0.5)), _f(0.0))
            return carry

        lax.fori_loop(jnp.int32(0), jnp.int32(ch // 16), group, jnp.int32(0))
        pltpu.sync_copy(o_v, out_hbm.at[pl.ds(base, ch)])

    return pl.kernel(
        body,
        mesh=mesh,
        compiler_params=pltpu.CompilerParams(needs_layout_passes=False),
        out_type=jax.ShapeDtypeStruct((n_pad,), jnp.float32),
        scratch_types=[
            pltpu.VMEM((_M, ch), jnp.float32),
            pltpu.VMEM((ch,), jnp.int32),
            pltpu.VMEM((stats,), jnp.float32),
            pltpu.VMEM((ch,), jnp.float32),
        ],
    )


def kernel(x, u, batch, edge_index, W1, b1):
    n = x.shape[0]
    align = max(_R, 4096)
    n_pad = -(-n // align) * align
    b32 = jnp.pad(batch.astype(jnp.int32), (0, n_pad - n),
                  constant_values=_B)
    batch3 = b32.reshape(n_pad // _R, 1, _R)
    u_bmd = jnp.transpose(u.astype(jnp.float32), (1, 0, 2))
    scoresT, tstat = _make_stage1(n_pad)(
        batch3, x.astype(jnp.float32), W1.astype(jnp.float32),
        b1.astype(jnp.float32).reshape(1, _D), u_bmd)
    gate = _make_stage2(n_pad)(scoresT, b32, tstat.reshape(-1))
    return gate[:n]

# --- scband reference (transcript-rebuilt; emitter-appended) ---
"""Pipeline reference for scband-masking-model-12970801234013 (READ-ONLY COPY).

The authoritative reference and input builder live on the scoring server;
editing this copy changes nothing except your own understanding.
"""

import jax, jax.numpy as jnp
import numpy as np
jax.config.update('jax_enable_x64', True)

N = 100000
B = 64
M = 16
DIM_NODES = 128
DIM_QUESTIONS = 128
E = 1600000


def setup_inputs(seed: int = 0) -> dict:
    key = jax.random.key(seed)
    ks = jax.random.split(key, 8)
    x = jax.random.normal(ks[0], (N, DIM_NODES), dtype=jnp.float32)
    u = jax.random.normal(ks[1], (M, B, DIM_QUESTIONS), dtype=jnp.float32)
    batch = jnp.sort(jax.random.randint(ks[2], (N,), 0, B, dtype=jnp.int64))
    edge_index = jax.random.randint(ks[3], (2, E), 0, N, dtype=jnp.int64)
    s1 = 1.0 / np.sqrt(DIM_NODES)
    # node_nn: Linear(dim_nodes -> dim_questions) weights (the only params used when use_all_instrs=True)
    W1 = jax.random.uniform(ks[4], (DIM_QUESTIONS, DIM_NODES), dtype=jnp.float32, minval=-s1, maxval=s1)
    b1 = jax.random.uniform(ks[5], (DIM_QUESTIONS,), dtype=jnp.float32, minval=-s1, maxval=s1)
    return {'x': x, 'u': u, 'batch': batch, 'edge_index': edge_index, 'W1': W1, 'b1': b1}


def reference(x, u, batch, edge_index, W1, b1):
    # x = self.node_nn(x): Linear + GELU
    h = jax.nn.gelu(x @ W1.T + b1, approximate=False)
    size = u.shape[1]
    counts = jnp.bincount(batch, length=size)
    n_max = jnp.max(counts)
    pad = (n_max - counts).astype(h.dtype)
    proj = jnp.tensordot(h, u, axes=[[1], [2]])
    scores = jnp.take_along_axis(proj, batch[:, None, None], axis=2)[..., 0]
    segmax = jax.ops.segment_max(scores, batch, num_segments=size, indices_are_sorted=True)
    rmax = jnp.where(pad[:, None] > 0, jnp.maximum(segmax, 0.0), segmax)
    e = jnp.exp(scores - rmax[batch])
    denom = jax.ops.segment_sum(e, batch, num_segments=size, indices_are_sorted=True) + pad[:, None] * jnp.exp(-rmax)
    attention = e / denom[batch]
    gate = attention.sum(axis=1)
    # dropout(p=0.2) is identity in eval mode
    gate = jax.nn.sigmoid(gate)
    gate = (gate > 0.5).astype(gate.dtype)
    return gate

if __name__ == "__main__":
    import jax
    _d = setup_inputs()
    print(jax.jit(kernel)(*tuple(_d.values())))

</pallas_src>

<mosaic_0001>
#map = affine_map<(d0, d1) -> (0, 0)>
#map1 = affine_map<(d0, d1) -> (0)>
module attributes {stable_mosaic.version = 14 : i64} {
  func.func @body(%arg0: i32, %arg1: i32, %arg2: memref<16x106496xf32, #tpu.memory_space<hbm>>, %arg3: memref<106496xi32, #tpu.memory_space<hbm>>, %arg4: memref<1040xf32, #tpu.memory_space<hbm>>, %arg5: memref<106496xf32, #tpu.memory_space<hbm>>, %arg6: memref<16x3328xf32, #tpu.memory_space<vmem>>, %arg7: memref<3328xi32, #tpu.memory_space<vmem>>, %arg8: memref<1040xf32, #tpu.memory_space<vmem>>, %arg9: memref<3328xf32, #tpu.memory_space<vmem>>) attributes {dimension_semantics = [#tpu.dimension_semantics<core_parallel>, #tpu.dimension_semantics<subcore_parallel>], iteration_bounds = array<i64: 2, 16>, scalar_prefetch = 0 : i64, scratch_operands = 4 : i64, tpu.core_type = #tpu.core_type<sc_vector_subcore>, window_params = [{transform_indices = #map}, {transform_indices = #map1}, {transform_indices = #map1}, {transform_indices = #map1}]} {
    %mul3A = arith.constant 16 : i32
    %mul3A_0 = arith.muli %arg0, %mul3A : i32
    %add3A = arith.addi %mul3A_0, %arg1 : i32
    %mul3A_1 = arith.constant 3328 : i32
    %mul3A_2 = arith.muli %add3A, %mul3A_1 : i32
    "tpu.region"() ({
      %run_scoped3A = tpu.sem_alloc : memref<!tpu.dma_semaphore, #tpu.memory_space<semaphore_mem>>
      %dma_start3A = arith.constant 0 : i32
      %dma_start3A_13 = tpu.memref_slice %arg2[%dma_start3A, %mul3A_2] : memref<16x106496xf32, #tpu.memory_space<hbm>> -> memref<16x3328xf32, #tpu.memory_space<hbm>>
      %dma_start3A_14 = arith.constant 0 : i32
      %dma_start3A_15 = tpu.memref_slice %arg2[%dma_start3A_14, %mul3A_2] : memref<16x106496xf32, #tpu.memory_space<hbm>> -> memref<16x3328xf32, #tpu.memory_space<hbm>>
      tpu.enqueue_dma source(%dma_start3A_15 : memref<16x3328xf32, #tpu.memory_space<hbm>>) target(%arg6 : memref<16x3328xf32, #tpu.memory_space<vmem>>) target_semaphore(%run_scoped3A : memref<!tpu.dma_semaphore, #tpu.memory_space<semaphore_mem>>)
      %dma_wait3A = arith.constant 0 : i32
      %dma_wait3A_16 = tpu.memref_slice %arg2[%dma_wait3A, %mul3A_2] : memref<16x106496xf32, #tpu.memory_space<hbm>> -> memref<16x3328xf32, #tpu.memory_space<hbm>>
      %dma_wait3A_17 = arith.constant 0 : i32
      %dma_wait3A_18 = tpu.memref_slice %arg2[%dma_wait3A_17, %mul3A_2] : memref<16x106496xf32, #tpu.memory_space<hbm>> -> memref<16x3328xf32, #tpu.memory_space<hbm>>
      tpu.wait_dma2 semaphore(%run_scoped3A : memref<!tpu.dma_semaphore, #tpu.memory_space<semaphore_mem>>) src(%dma_wait3A_18 : memref<16x3328xf32, #tpu.memory_space<hbm>>) dst(%arg6 : memref<16x3328xf32, #tpu.memory_space<vmem>>)
      tpu.yield
    }) : () -> ()
    "tpu.region"() ({
      %run_scoped3A = tpu.sem_alloc : memref<!tpu.dma_semaphore, #tpu.memory_space<semaphore_mem>>
      %dma_start3A = tpu.memref_slice %arg3[%mul3A_2] : memref<106496xi32, #tpu.memory_space<hbm>> -> memref<3328xi32, #tpu.memory_space<hbm>>
      %dma_start3A_13 = tpu.memref_slice %arg3[%mul3A_2] : memref<106496xi32, #tpu.memory_space<hbm>> -> memref<3328xi32, #tpu.memory_space<hbm>>
      tpu.enqueue_dma source(%dma_start3A_13 : memref<3328xi32, #tpu.memory_space<hbm>>) target(%arg7 : memref<3328xi32, #tpu.memory_space<vmem>>) target_semaphore(%run_scoped3A : memref<!tpu.dma_semaphore, #tpu.memory_space<semaphore_mem>>)
      %dma_wait3A = tpu.memref_slice %arg3[%mul3A_2] : memref<106496xi32, #tpu.memory_space<hbm>> -> memref<3328xi32, #tpu.memory_space<hbm>>
      %dma_wait3A_14 = tpu.memref_slice %arg3[%mul3A_2] : memref<106496xi32, #tpu.memory_space<hbm>> -> memref<3328xi32, #tpu.memory_space<hbm>>
      tpu.wait_dma2 semaphore(%run_scoped3A : memref<!tpu.dma_semaphore, #tpu.memory_space<semaphore_mem>>) src(%dma_wait3A_14 : memref<3328xi32, #tpu.memory_space<hbm>>) dst(%arg7 : memref<3328xi32, #tpu.memory_space<vmem>>)
      tpu.yield
    }) : () -> ()
    "tpu.region"() ({
      %run_scoped3A = tpu.sem_alloc : memref<!tpu.dma_semaphore, #tpu.memory_space<semaphore_mem>>
      tpu.enqueue_dma source(%arg4 : memref<1040xf32, #tpu.memory_space<hbm>>) target(%arg8 : memref<1040xf32, #tpu.memory_space<vmem>>) target_semaphore(%run_scoped3A : memref<!tpu.dma_semaphore, #tpu.memory_space<semaphore_mem>>)
      tpu.wait_dma2 semaphore(%run_scoped3A : memref<!tpu.dma_semaphore, #tpu.memory_space<semaphore_mem>>) src(%arg4 : memref<1040xf32, #tpu.memory_space<hbm>>) dst(%arg8 : memref<1040xf32, #tpu.memory_space<vmem>>)
      tpu.yield
    }) : () -> ()
    %while3A = arith.constant 0 : i32
    %while3A_3 = arith.constant 0 : i32
    %while3A_4 = arith.constant 208 : i32
    %while3A_5 = arith.subi %while3A_4, %while3A_3 : i32
    %while3A_6 = arith.addi %while3A_3, %while3A_5 : i32
    %while3A_7 = arith.constant 1 : i32
    %while3A_8 = arith.divsi %while3A_5, %while3A_7 : i32
    %while3A_9 = arith.muli %while3A_8, %while3A_7 : i32
    %while3A_10 = arith.addi %while3A_3, %while3A_9 : i32
    %while3A_11 = arith.constant 1 : i32
    scf.for %while3A_13 = %while3A_3 to %while3A_10 step %while3A_11  : i32 {
      %mul3A_14 = arith.constant 16 : i32
      %mul3A_15 = arith.muli %while3A_13, %mul3A_14 : i32
      %get3A = arith.index_cast %mul3A_15 : i32 to index
      %get3A_16 = tpu.vector_load %arg7[%get3A] {strides = array<i32>} : memref<3328xi32, #tpu.memory_space<vmem>>, vector<16xi32>,
      %broadcast_in_dim3A = arith.constant 0.000000e+00 : f32
      %broadcast_in_dim3A_17 = vector.broadcast %broadcast_in_dim3A : f32 to vector<16xf32>
      %broadcast_in_dim3A_18 = arith.constant 0.000000e+00 : f32
      %broadcast_in_dim3A_19 = vector.broadcast %broadcast_in_dim3A_18 : f32 to vector<16xf32>
      %broadcast_in_dim3A_20 = arith.constant 0.000000e+00 : f32
      %broadcast_in_dim3A_21 = vector.broadcast %broadcast_in_dim3A_20 : f32 to vector<16xf32>
      %broadcast_in_dim3A_22 = arith.constant 0.000000e+00 : f32
      %broadcast_in_dim3A_23 = vector.broadcast %broadcast_in_dim3A_22 : f32 to vector<16xf32>
      %add3A_24 = arith.constant 0 : i32
      %add3A_25 = vector.broadcast %add3A_24 : i32 to vector<16xi32>
      %add3A_26 = arith.addi %add3A_25, %get3A_16 : vector<16xi32>
      %get3A_27 = arith.constant 0 : i64
      %get3A_28 = arith.index_cast %get3A_27 : i64 to index
      %get3A_29 = arith.index_cast %mul3A_15 : i32 to index
      %get3A_30 = tpu.vector_load %arg6[%get3A_28, %get3A_29] {strides = array<i32>} : memref<16x3328xf32, #tpu.memory_space<vmem>>, vector<16xf32>,
      %gather3A = tpu.vector_load_idx %arg8[%add3A_26] : memref<1040xf32, #tpu.memory_space<vmem>>[vector<16xi32>], vector<16xf32>,
      %sub3A = arith.subf %get3A_30, %gather3A : vector<16xf32>
      %exp3A = math.exp %sub3A : vector<16xf32>
      %add3A_31 = arith.addf %broadcast_in_dim3A_17, %exp3A : vector<16xf32>
      %add3A_32 = arith.constant 65 : i32
      %add3A_33 = vector.broadcast %add3A_32 : i32 to vector<16xi32>
      %add3A_34 = arith.addi %add3A_33, %get3A_16 : vector<16xi32>
      %get3A_35 = arith.constant 1 : i64
      %get3A_36 = arith.index_cast %get3A_35 : i64 to index
      %get3A_37 = arith.index_cast %mul3A_15 : i32 to index
      %get3A_38 = tpu.vector_load %arg6[%get3A_36, %get3A_37] {strides = array<i32>} : memref<16x3328xf32, #tpu.memory_space<vmem>>, vector<16xf32>,
      %gather3A_39 = tpu.vector_load_idx %arg8[%add3A_34] : memref<1040xf32, #tpu.memory_space<vmem>>[vector<16xi32>], vector<16xf32>,
      %sub3A_40 = arith.subf %get3A_38, %gather3A_39 : vector<16xf32>
      %exp3A_41 = math.exp %sub3A_40 : vector<16xf32>
      %add3A_42 = arith.addf %broadcast_in_dim3A_19, %exp3A_41 : vector<16xf32>
      %add3A_43 = arith.constant 130 : i32
      %add3A_44 = vector.broadcast %add3A_43 : i32 to vector<16xi32>
      %add3A_45 = arith.addi %add3A_44, %get3A_16 : vector<16xi32>
      %get3A_46 = arith.constant 2 : i64
      %get3A_47 = arith.index_cast %get3A_46 : i64 to index
      %get3A_48 = arith.index_cast %mul3A_15 : i32 to index
      %get3A_49 = tpu.vector_load %arg6[%get3A_47, %get3A_48] {strides = array<i32>} : memref<16x3328xf32, #tpu.memory_space<vmem>>, vector<16xf32>,
      %gather3A_50 = tpu.vector_load_idx %arg8[%add3A_45] : memref<1040xf32, #tpu.memory_space<vmem>>[vector<16xi32>], vector<16xf32>,
      %sub3A_51 = arith.subf %get3A_49, %gather3A_50 : vector<16xf32>
      %exp3A_52 = math.exp %sub3A_51 : vector<16xf32>
      %add3A_53 = arith.addf %broadcast_in_dim3A_21, %exp3A_52 : vector<16xf32>
      %add3A_54 = arith.constant 195 : i32
      %add3A_55 = vector.broadcast %add3A_54 : i32 to vector<16xi32>
      %add3A_56 = arith.addi %add3A_55, %get3A_16 : vector<16xi32>
      %get3A_57 = arith.constant 3 : i64
      %get3A_58 = arith.index_cast %get3A_57 : i64 to index
      %get3A_59 = arith.index_cast %mul3A_15 : i32 to index
      %get3A_60 = tpu.vector_load %arg6[%get3A_58, %get3A_59] {strides = array<i32>} : memref<16x3328xf32, #tpu.memory_space<vmem>>, vector<16xf32>,
      %gather3A_61 = tpu.vector_load_idx %arg8[%add3A_56] : memref<1040xf32, #tpu.memory_space<vmem>>[vector<16xi32>], vector<16xf32>,
      %sub3A_62 = arith.subf %get3A_60, %gather3A_61 : vector<16xf32>
      %exp3A_63 = math.exp %sub3A_62 : vector<16xf32>
      %add3A_64 = arith.addf %broadcast_in_dim3A_23, %exp3A_63 : vector<16xf32>
      %add3A_65 = arith.constant 260 : i32
      %add3A_66 = vector.broadcast %add3A_65 : i32 to vector<16xi32>
      %add3A_67 = arith.addi %add3A_66, %get3A_16 : vector<16xi32>
      %get3A_68 = arith.constant 4 : i64
      %get3A_69 = arith.index_cast %get3A_68 : i64 to index
      %get3A_70 = arith.index_cast %mul3A_15 : i32 to index
      %get3A_71 = tpu.vector_load %arg6[%get3A_69, %get3A_70] {strides = array<i32>} : memref<16x3328xf32, #tpu.memory_space<vmem>>, vector<16xf32>,
      %gather3A_72 = tpu.vector_load_idx %arg8[%add3A_67] : memref<1040xf32, #tpu.memory_space<vmem>>[vector<16xi32>], vector<16xf32>,
      %sub3A_73 = arith.subf %get3A_71, %gather3A_72 : vector<16xf32>
      %exp3A_74 = math.exp %sub3A_73 : vector<16xf32>
      %add3A_75 = arith.addf %add3A_31, %exp3A_74 : vector<16xf32>
      %add3A_76 = arith.constant 325 : i32
      %add3A_77 = vector.broadcast %add3A_76 : i32 to vector<16xi32>
      %add3A_78 = arith.addi %add3A_77, %get3A_16 : vector<16xi32>
      %get3A_79 = arith.constant 5 : i64
      %get3A_80 = arith.index_cast %get3A_79 : i64 to index
      %get3A_81 = arith.index_cast %mul3A_15 : i32 to index
      %get3A_82 = tpu.vector_load %arg6[%get3A_80, %get3A_81] {strides = array<i32>} : memref<16x3328xf32, #tpu.memory_space<vmem>>, vector<16xf32>,
      %gather3A_83 = tpu.vector_load_idx %arg8[%add3A_78] : memref<1040xf32, #tpu.memory_space<vmem>>[vector<16xi32>], vector<16xf32>,
      %sub3A_84 = arith.subf %get3A_82, %gather3A_83 : vector<16xf32>
      %exp3A_85 = math.exp %sub3A_84 : vector<16xf32>
      %add3A_86 = arith.addf %add3A_42, %exp3A_85 : vector<16xf32>
      %add3A_87 = arith.constant 390 : i32
      %add3A_88 = vector.broadcast %add3A_87 : i32 to vector<16xi32>
      %add3A_89 = arith.addi %add3A_88, %get3A_16 : vector<16xi32>
      %get3A_90 = arith.constant 6 : i64
      %get3A_91 = arith.index_cast %get3A_90 : i64 to index
      %get3A_92 = arith.index_cast %mul3A_15 : i32 to index
      %get3A_93 = tpu.vector_load %arg6[%get3A_91, %get3A_92] {strides = array<i32>} : memref<16x3328xf32, #tpu.memory_space<vmem>>, vector<16xf32>,
      %gather3A_94 = tpu.vector_load_idx %arg8[%add3A_89] : memref<1040xf32, #tpu.memory_space<vmem>>[vector<16xi32>], vector<16xf32>,
      %sub3A_95 = arith.subf %get3A_93, %gather3A_94 : vector<16xf32>
      %exp3A_96 = math.exp %sub3A_95 : vector<16xf32>
      %add3A_97 = arith.addf %add3A_53, %exp3A_96 : vector<16xf32>
      %add3A_98 = arith.constant 455 : i32
      %add3A_99 = vector.broadcast %add3A_98 : i32 to vector<16xi32>
      %add3A_100 = arith.addi %add3A_99, %get3A_16 : vector<16xi32>
      %get3A_101 = arith.constant 7 : i64
      %get3A_102 = arith.index_cast %get3A_101 : i64 to index
      %get3A_103 = arith.index_cast %mul3A_15 : i32 to index
      %get3A_104 = tpu.vector_load %arg6[%get3A_102, %get3A_103] {strides = array<i32>} : memref<16x3328xf32, #tpu.memory_space<vmem>>, vector<16xf32>,
      %gather3A_105 = tpu.vector_load_idx %arg8[%add3A_100] : memref<1040xf32, #tpu.memory_space<vmem>>[vector<16xi32>], vector<16xf32>,
      %sub3A_106 = arith.subf %get3A_104, %gather3A_105 : vector<16xf32>
      %exp3A_107 = math.exp %sub3A_106 : vector<16xf32>
      %add3A_108 = arith.addf %add3A_64, %exp3A_107 : vector<16xf32>
      %add3A_109 = arith.constant 520 : i32
      %add3A_110 = vector.broadcast %add3A_109 : i32 to vector<16xi32>
      %add3A_111 = arith.addi %add3A_110, %get3A_16 : vector<16xi32>
      %get3A_112 = arith.constant 8 : i64
      %get3A_113 = arith.index_cast %get3A_112 : i64 to index
      %get3A_114 = arith.index_cast %mul3A_15 : i32 to index
      %get3A_115 = tpu.vector_load %arg6[%get3A_113, %get3A_114] {strides = array<i32>} : memref<16x3328xf32, #tpu.memory_space<vmem>>, vector<16xf32>,
      %gather3A_116 = tpu.vector_load_idx %arg8[%add3A_111] : memref<1040xf32, #tpu.memory_space<vmem>>[vector<16xi32>], vector<16xf32>,
      %sub3A_117 = arith.subf %get3A_115, %gather3A_116 : vector<16xf32>
      %exp3A_118 = math.exp %sub3A_117 : vector<16xf32>
      %add3A_119 = arith.addf %add3A_75, %exp3A_118 : vector<16xf32>
      %add3A_120 = arith.constant 585 : i32
      %add3A_121 = vector.broadcast %add3A_120 : i32 to vector<16xi32>
      %add3A_122 = arith.addi %add3A_121, %get3A_16 : vector<16xi32>
      %get3A_123 = arith.constant 9 : i64
      %get3A_124 = arith.index_cast %get3A_123 : i64 to index
      %get3A_125 = arith.index_cast %mul3A_15 : i32 to index
      %get3A_126 = tpu.vector_load %arg6[%get3A_124, %get3A_125] {strides = array<i32>} : memref<16x3328xf32, #tpu.memory_space<vmem>>, vector<16xf32>,
      %gather3A_127 = tpu.vector_load_idx %arg8[%add3A_122] : memref<1040xf32, #tpu.memory_space<vmem>>[vector<16xi32>], vector<16xf32>,
      %sub3A_128 = arith.subf %get3A_126, %gather3A_127 : vector<16xf32>
      %exp3A_129 = math.exp %sub3A_128 : vector<16xf32>
      %add3A_130 = arith.addf %add3A_86, %exp3A_129 : vector<16xf32>
      %add3A_131 = arith.constant 650 : i32
      %add3A_132 = vector.broadcast %add3A_131 : i32 to vector<16xi32>
      %add3A_133 = arith.addi %add3A_132, %get3A_16 : vector<16xi32>
      %get3A_134 = arith.constant 10 : i64
      %get3A_135 = arith.index_cast %get3A_134 : i64 to index
      %get3A_136 = arith.index_cast %mul3A_15 : i32 to index
      %get3A_137 = tpu.vector_load %arg6[%get3A_135, %get3A_136] {strides = array<i32>} : memref<16x3328xf32, #tpu.memory_space<vmem>>, vector<16xf32>,
      %gather3A_138 = tpu.vector_load_idx %arg8[%add3A_133] : memref<1040xf32, #tpu.memory_space<vmem>>[vector<16xi32>], vector<16xf32>,
      %sub3A_139 = arith.subf %get3A_137, %gather3A_138 : vector<16xf32>
      %exp3A_140 = math.exp %sub3A_139 : vector<16xf32>
      %add3A_141 = arith.addf %add3A_97, %exp3A_140 : vector<16xf32>
      %add3A_142 = arith.constant 715 : i32
      %add3A_143 = vector.broadcast %add3A_142 : i32 to vector<16xi32>
      %add3A_144 = arith.addi %add3A_143, %get3A_16 : vector<16xi32>
      %get3A_145 = arith.constant 11 : i64
      %get3A_146 = arith.index_cast %get3A_145 : i64 to index
      %get3A_147 = arith.index_cast %mul3A_15 : i32 to index
      %get3A_148 = tpu.vector_load %arg6[%get3A_146, %get3A_147] {strides = array<i32>} : memref<16x3328xf32, #tpu.memory_space<vmem>>, vector<16xf32>,
      %gather3A_149 = tpu.vector_load_idx %arg8[%add3A_144] : memref<1040xf32, #tpu.memory_space<vmem>>[vector<16xi32>], vector<16xf32>,
      %sub3A_150 = arith.subf %get3A_148, %gather3A_149 : vector<16xf32>
      %exp3A_151 = math.exp %sub3A_150 : vector<16xf32>
      %add3A_152 = arith.addf %add3A_108, %exp3A_151 : vector<16xf32>
      %add3A_153 = arith.constant 780 : i32
      %add3A_154 = vector.broadcast %add3A_153 : i32 to vector<16xi32>
      %add3A_155 = arith.addi %add3A_154, %get3A_16 : vector<16xi32>
      %get3A_156 = arith.constant 12 : i64
      %get3A_157 = arith.index_cast %get3A_156 : i64 to index
      %get3A_158 = arith.index_cast %mul3A_15 : i32 to index
      %get3A_159 = tpu.vector_load %arg6[%get3A_157, %get3A_158] {strides = array<i32>} : memref<16x3328xf32, #tpu.memory_space<vmem>>, vector<16xf32>,
      %gather3A_160 = tpu.vector_load_idx %arg8[%add3A_155] : memref<1040xf32, #tpu.memory_space<vmem>>[vector<16xi32>], vector<16xf32>,
      %sub3A_161 = arith.subf %get3A_159, %gather3A_160 : vector<16xf32>
      %exp3A_162 = math.exp %sub3A_161 : vector<16xf32>
      %add3A_163 = arith.addf %add3A_119, %exp3A_162 : vector<16xf32>
      %add3A_164 = arith.constant 845 : i32
      %add3A_165 = vector.broadcast %add3A_164 : i32 to vector<16xi32>
      %add3A_166 = arith.addi %add3A_165, %get3A_16 : vector<16xi32>
      %get3A_167 = arith.constant 13 : i64
      %get3A_168 = arith.index_cast %get3A_167 : i64 to index
      %get3A_169 = arith.index_cast %mul3A_15 : i32 to index
      %get3A_170 = tpu.vector_load %arg6[%get3A_168, %get3A_169] {strides = array<i32>} : memref<16x3328xf32, #tpu.memory_space<vmem>>, vector<16xf32>,
      %gather3A_171 = tpu.vector_load_idx %arg8[%add3A_166] : memref<1040xf32, #tpu.memory_space<vmem>>[vector<16xi32>], vector<16xf32>,
      %sub3A_172 = arith.subf %get3A_170, %gather3A_171 : vector<16xf32>
      %exp3A_173 = math.exp %sub3A_172 : vector<16xf32>
      %add3A_174 = arith.addf %add3A_130, %exp3A_173 : vector<16xf32>
      %add3A_175 = arith.constant 910 : i32
      %add3A_176 = vector.broadcast %add3A_175 : i32 to vector<16xi32>
      %add3A_177 = arith.addi %add3A_176, %get3A_16 : vector<16xi32>
      %get3A_178 = arith.constant 14 : i64
      %get3A_179 = arith.index_cast %get3A_178 : i64 to index
      %get3A_180 = arith.index_cast %mul3A_15 : i32 to index
      %get3A_181 = tpu.vector_load %arg6[%get3A_179, %get3A_180] {strides = array<i32>} : memref<16x3328xf32, #tpu.memory_space<vmem>>, vector<16xf32>,
      %gather3A_182 = tpu.vector_load_idx %arg8[%add3A_177] : memref<1040xf32, #tpu.memory_space<vmem>>[vector<16xi32>], vector<16xf32>,
      %sub3A_183 = arith.subf %get3A_181, %gather3A_182 : vector<16xf32>
      %exp3A_184 = math.exp %sub3A_183 : vector<16xf32>
      %add3A_185 = arith.addf %add3A_141, %exp3A_184 : vector<16xf32>
      %add3A_186 = arith.constant 975 : i32
      %add3A_187 = vector.broadcast %add3A_186 : i32 to vector<16xi32>
      %add3A_188 = arith.addi %add3A_187, %get3A_16 : vector<16xi32>
      %get3A_189 = arith.constant 15 : i64
      %get3A_190 = arith.index_cast %get3A_189 : i64 to index
      %get3A_191 = arith.index_cast %mul3A_15 : i32 to index
      %get3A_192 = tpu.vector_load %arg6[%get3A_190, %get3A_191] {strides = array<i32>} : memref<16x3328xf32, #tpu.memory_space<vmem>>, vector<16xf32>,
      %gather3A_193 = tpu.vector_load_idx %arg8[%add3A_188] : memref<1040xf32, #tpu.memory_space<vmem>>[vector<16xi32>], vector<16xf32>,
      %sub3A_194 = arith.subf %get3A_192, %gather3A_193 : vector<16xf32>
      %exp3A_195 = math.exp %sub3A_194 : vector<16xf32>
      %add3A_196 = arith.addf %add3A_152, %exp3A_195 : vector<16xf32>
      %add3A_197 = arith.addf %add3A_163, %add3A_174 : vector<16xf32>
      %add3A_198 = arith.addf %add3A_185, %add3A_196 : vector<16xf32>
      %add3A_199 = arith.addf %add3A_197, %add3A_198 : vector<16xf32>
      %neg3A = arith.constant 0.000000e+00 : f32
      %neg3A_200 = vector.broadcast %neg3A : f32 to vector<16xf32>
      %neg3A_201 = arith.subf %neg3A_200, %add3A_199 : vector<16xf32>
      %exp3A_202 = math.exp %neg3A_201 : vector<16xf32>
      %add3A_203 = arith.constant 1.000000e+00 : f32
      %add3A_204 = vector.broadcast %add3A_203 : f32 to vector<16xf32>
      %add3A_205 = arith.addf %add3A_204, %exp3A_202 : vector<16xf32>
      %div3A = arith.constant 1.000000e+00 : f32
      %div3A_206 = vector.broadcast %div3A : f32 to vector<16xf32>
      %div3A_207 = arith.divf %div3A_206, %add3A_205 : vector<16xf32>
      %sub3A_208 = arith.constant 5.000000e-01 : f32
      %sub3A_209 = vector.broadcast %sub3A_208 : f32 to vector<16xf32>
      %sub3A_210 = arith.subf %div3A_207, %sub3A_209 : vector<16xf32>
      %sign3A = tpu.bitcast %sub3A_210 : vector<16xf32> -> vector<16xi32>
      %sign3A_211 = arith.constant -2147483648 : i32
      %sign3A_212 = vector.broadcast %sign3A_211 : i32 to vector<16xi32>
      %sign3A_213 = arith.andi %sign3A, %sign3A_212 : vector<16xi32>
      %sign3A_214 = arith.constant 1065353216 : i32
      %sign3A_215 = vector.broadcast %sign3A_214 : i32 to vector<16xi32>
      %sign3A_216 = arith.ori %sign3A_215, %sign3A_213 : vector<16xi32>
      %sign3A_217 = tpu.bitcast %sign3A_216 : vector<16xi32> -> vector<16xf32>
      %sign3A_218 = math.absf %sub3A_210 : vector<16xf32>
      %sign3A_219 = arith.constant 0.000000e+00 : f32
      %sign3A_220 = vector.broadcast %sign3A_219 : f32 to vector<16xf32>
      %sign3A_221 = arith.cmpf ogt, %sign3A_218, %sign3A_220 : vector<16xf32>
      %sign3A_222 = arith.select %sign3A_221, %sign3A_217, %sub3A_210 : vector<16xi1>, vector<16xf32>
      %max3A = arith.constant 0.000000e+00 : f32
      %max3A_223 = vector.broadcast %max3A : f32 to vector<16xf32>
      %max3A_224 = arith.maximumf %sign3A_222, %max3A_223 : vector<16xf32>
      %swap3A = arith.index_cast %mul3A_15 : i32 to index
      %swap3A_225 = tpu.vector_load %arg9[%swap3A] {strides = array<i32>} : memref<3328xf32, #tpu.memory_space<vmem>>, vector<16xf32>,
      tpu.vector_store %arg9[%swap3A], %max3A_224 {strides = array<i32>} : memref<3328xf32, #tpu.memory_space<vmem>>, vector<16xf32>,
    }
    %while3A_12 = arith.constant 1 : i32
    scf.for %while3A_13 = %while3A_10 to %while3A_6 step %while3A_12  : i32 {
      %mul3A_14 = arith.constant 16 : i32
      %mul3A_15 = arith.muli %while3A_13, %mul3A_14 : i32
      %get3A = arith.index_cast %mul3A_15 : i32 to index
      %get3A_16 = tpu.vector_load %arg7[%get3A] {strides = array<i32>} : memref<3328xi32, #tpu.memory_space<vmem>>, vector<16xi32>,
      %broadcast_in_dim3A = arith.constant 0.000000e+00 : f32
      %broadcast_in_dim3A_17 = vector.broadcast %broadcast_in_dim3A : f32 to vector<16xf32>
      %broadcast_in_dim3A_18 = arith.constant 0.000000e+00 : f32
      %broadcast_in_dim3A_19 = vector.broadcast %broadcast_in_dim3A_18 : f32 to vector<16xf32>
      %broadcast_in_dim3A_20 = arith.constant 0.000000e+00 : f32
      %broadcast_in_dim3A_21 = vector.broadcast %broadcast_in_dim3A_20 : f32 to vector<16xf32>
      %broadcast_in_dim3A_22 = arith.constant 0.000000e+00 : f32
      %broadcast_in_dim3A_23 = vector.broadcast %broadcast_in_dim3A_22 : f32 to vector<16xf32>
      %add3A_24 = arith.constant 0 : i32
      %add3A_25 = vector.broadcast %add3A_24 : i32 to vector<16xi32>
      %add3A_26 = arith.addi %add3A_25, %get3A_16 : vector<16xi32>
      %get3A_27 = arith.constant 0 : i64
      %get3A_28 = arith.index_cast %get3A_27 : i64 to index
      %get3A_29 = arith.index_cast %mul3A_15 : i32 to index
      %get3A_30 = tpu.vector_load %arg6[%get3A_28, %get3A_29] {strides = array<i32>} : memref<16x3328xf32, #tpu.memory_space<vmem>>, vector<16xf32>,
      %gather3A = tpu.vector_load_idx %arg8[%add3A_26] : memref<1040xf32, #tpu.memory_space<vmem>>[vector<16xi32>], vector<16xf32>,
      %sub3A = arith.subf %get3A_30, %gather3A : vector<16xf32>
      %exp3A = math.exp %sub3A : vector<16xf32>
      %add3A_31 = arith.addf %broadcast_in_dim3A_17, %exp3A : vector<16xf32>
      %add3A_32 = arith.constant 65 : i32
      %add3A_33 = vector.broadcast %add3A_32 : i32 to vector<16xi32>
      %add3A_34 = arith.addi %add3A_33, %get3A_16 : vector<16xi32>
      %get3A_35 = arith.constant 1 : i64
      %get3A_36 = arith.index_cast %get3A_35 : i64 to index
      %get3A_37 = arith.index_cast %mul3A_15 : i32 to index
      %get3A_38 = tpu.vector_load %arg6[%get3A_36, %get3A_37] {strides = array<i32>} : memref<16x3328xf32, #tpu.memory_space<vmem>>, vector<16xf32>,
      %gather3A_39 = tpu.vector_load_idx %arg8[%add3A_34] : memref<1040xf32, #tpu.memory_space<vmem>>[vector<16xi32>], vector<16xf32>,
      %sub3A_40 = arith.subf %get3A_38, %gather3A_39 : vector<16xf32>
      %exp3A_41 = math.exp %sub3A_40 : vector<16xf32>
      %add3A_42 = arith.addf %broadcast_in_dim3A_19, %exp3A_41 : vector<16xf32>
      %add3A_43 = arith.constant 130 : i32
      %add3A_44 = vector.broadcast %add3A_43 : i32 to vector<16xi32>
      %add3A_45 = arith.addi %add3A_44, %get3A_16 : vector<16xi32>
      %get3A_46 = arith.constant 2 : i64
      %get3A_47 = arith.index_cast %get3A_46 : i64 to index
      %get3A_48 = arith.index_cast %mul3A_15 : i32 to index
      %get3A_49 = tpu.vector_load %arg6[%get3A_47, %get3A_48] {strides = array<i32>} : memref<16x3328xf32, #tpu.memory_space<vmem>>, vector<16xf32>,
      %gather3A_50 = tpu.vector_load_idx %arg8[%add3A_45] : memref<1040xf32, #tpu.memory_space<vmem>>[vector<16xi32>], vector<16xf32>,
      %sub3A_51 = arith.subf %get3A_49, %gather3A_50 : vector<16xf32>
      %exp3A_52 = math.exp %sub3A_51 : vector<16xf32>
      %add3A_53 = arith.addf %broadcast_in_dim3A_21, %exp3A_52 : vector<16xf32>
      %add3A_54 = arith.constant 195 : i32
      %add3A_55 = vector.broadcast %add3A_54 : i32 to vector<16xi32>
      %add3A_56 = arith.addi %add3A_55, %get3A_16 : vector<16xi32>
      %get3A_57 = arith.constant 3 : i64
      %get3A_58 = arith.index_cast %get3A_57 : i64 to index
      %get3A_59 = arith.index_cast %mul3A_15 : i32 to index
      %get3A_60 = tpu.vector_load %arg6[%get3A_58, %get3A_59] {strides = array<i32>} : memref<16x3328xf32, #tpu.memory_space<vmem>>, vector<16xf32>,
      %gather3A_61 = tpu.vector_load_idx %arg8[%add3A_56] : memref<1040xf32, #tpu.memory_space<vmem>>[vector<16xi32>], vector<16xf32>,
      %sub3A_62 = arith.subf %get3A_60, %gather3A_61 : vector<16xf32>
      %exp3A_63 = math.exp %sub3A_62 : vector<16xf32>
      %add3A_64 = arith.addf %broadcast_in_dim3A_23, %exp3A_63 : vector<16xf32>
      %add3A_65 = arith.constant 260 : i32
      %add3A_66 = vector.broadcast %add3A_65 : i32 to vector<16xi32>
      %add3A_67 = arith.addi %add3A_66, %get3A_16 : vector<16xi32>
      %get3A_68 = arith.constant 4 : i64
      %get3A_69 = arith.index_cast %get3A_68 : i64 to index
      %get3A_70 = arith.index_cast %mul3A_15 : i32 to index
      %get3A_71 = tpu.vector_load %arg6[%get3A_69, %get3A_70] {strides = array<i32>} : memref<16x3328xf32, #tpu.memory_space<vmem>>, vector<16xf32>,
      %gather3A_72 = tpu.vector_load_idx %arg8[%add3A_67] : memref<1040xf32, #tpu.memory_space<vmem>>[vector<16xi32>], vector<16xf32>,
      %sub3A_73 = arith.subf %get3A_71, %gather3A_72 : vector<16xf32>
      %exp3A_74 = math.exp %sub3A_73 : vector<16xf32>
      %add3A_75 = arith.addf %add3A_31, %exp3A_74 : vector<16xf32>
      %add3A_76 = arith.constant 325 : i32
      %add3A_77 = vector.broadcast %add3A_76 : i32 to vector<16xi32>
      %add3A_78 = arith.addi %add3A_77, %get3A_16 : vector<16xi32>
      %get3A_79 = arith.constant 5 : i64
      %get3A_80 = arith.index_cast %get3A_79 : i64 to index
      %get3A_81 = arith.index_cast %mul3A_15 : i32 to index
      %get3A_82 = tpu.vector_load %arg6[%get3A_80, %get3A_81] {strides = array<i32>} : memref<16x3328xf32, #tpu.memory_space<vmem>>, vector<16xf32>,
      %gather3A_83 = tpu.vector_load_idx %arg8[%add3A_78] : memref<1040xf32, #tpu.memory_space<vmem>>[vector<16xi32>], vector<16xf32>,
      %sub3A_84 = arith.subf %get3A_82, %gather3A_83 : vector<16xf32>
      %exp3A_85 = math.exp %sub3A_84 : vector<16xf32>
      %add3A_86 = arith.addf %add3A_42, %exp3A_85 : vector<16xf32>
      %add3A_87 = arith.constant 390 : i32
      %add3A_88 = vector.broadcast %add3A_87 : i32 to vector<16xi32>
      %add3A_89 = arith.addi %add3A_88, %get3A_16 : vector<16xi32>
      %get3A_90 = arith.constant 6 : i64
      %get3A_91 = arith.index_cast %get3A_90 : i64 to index
      %get3A_92 = arith.index_cast %mul3A_15 : i32 to index
      %get3A_93 = tpu.vector_load %arg6[%get3A_91, %get3A_92] {strides = array<i32>} : memref<16x3328xf32, #tpu.memory_space<vmem>>, vector<16xf32>,
      %gather3A_94 = tpu.vector_load_idx %arg8[%add3A_89] : memref<1040xf32, #tpu.memory_space<vmem>>[vector<16xi32>], vector<16xf32>,
      %sub3A_95 = arith.subf %get3A_93, %gather3A_94 : vector<16xf32>
      %exp3A_96 = math.exp %sub3A_95 : vector<16xf32>
      %add3A_97 = arith.addf %add3A_53, %exp3A_96 : vector<16xf32>
      %add3A_98 = arith.constant 455 : i32
      %add3A_99 = vector.broadcast %add3A_98 : i32 to vector<16xi32>
      %add3A_100 = arith.addi %add3A_99, %get3A_16 : vector<16xi32>
      %get3A_101 = arith.constant 7 : i64
      %get3A_102 = arith.index_cast %get3A_101 : i64 to index
      %get3A_103 = arith.index_cast %mul3A_15 : i32 to index
      %get3A_104 = tpu.vector_load %arg6[%get3A_102, %get3A_103] {strides = array<i32>} : memref<16x3328xf32, #tpu.memory_space<vmem>>, vector<16xf32>,
      %gather3A_105 = tpu.vector_load_idx %arg8[%add3A_100] : memref<1040xf32, #tpu.memory_space<vmem>>[vector<16xi32>], vector<16xf32>,
      %sub3A_106 = arith.subf %get3A_104, %gather3A_105 : vector<16xf32>
      %exp3A_107 = math.exp %sub3A_106 : vector<16xf32>
      %add3A_108 = arith.addf %add3A_64, %exp3A_107 : vector<16xf32>
      %add3A_109 = arith.constant 520 : i32
      %add3A_110 = vector.broadcast %add3A_109 : i32 to vector<16xi32>
      %add3A_111 = arith.addi %add3A_110, %get3A_16 : vector<16xi32>
      %get3A_112 = arith.constant 8 : i64
      %get3A_113 = arith.index_cast %get3A_112 : i64 to index
      %get3A_114 = arith.index_cast %mul3A_15 : i32 to index
      %get3A_115 = tpu.vector_load %arg6[%get3A_113, %get3A_114] {strides = array<i32>} : memref<16x3328xf32, #tpu.memory_space<vmem>>, vector<16xf32>,
      %gather3A_116 = tpu.vector_load_idx %arg8[%add3A_111] : memref<1040xf32, #tpu.memory_space<vmem>>[vector<16xi32>], vector<16xf32>,
      %sub3A_117 = arith.subf %get3A_115, %gather3A_116 : vector<16xf32>
      %exp3A_118 = math.exp %sub3A_117 : vector<16xf32>
      %add3A_119 = arith.addf %add3A_75, %exp3A_118 : vector<16xf32>
      %add3A_120 = arith.constant 585 : i32
      %add3A_121 = vector.broadcast %add3A_120 : i32 to vector<16xi32>
      %add3A_122 = arith.addi %add3A_121, %get3A_16 : vector<16xi32>
      %get3A_123 = arith.constant 9 : i64
      %get3A_124 = arith.index_cast %get3A_123 : i64 to index
      %get3A_125 = arith.index_cast %mul3A_15 : i32 to index
      %get3A_126 = tpu.vector_load %arg6[%get3A_124, %get3A_125] {strides = array<i32>} : memref<16x3328xf32, #tpu.memory_space<vmem>>, vector<16xf32>,
      %gather3A_127 = tpu.vector_load_idx %arg8[%add3A_122] : memref<1040xf32, #tpu.memory_space<vmem>>[vector<16xi32>], vector<16xf32>,
      %sub3A_128 = arith.subf %get3A_126, %gather3A_127 : vector<16xf32>
      %exp3A_129 = math.exp %sub3A_128 : vector<16xf32>
      %add3A_130 = arith.addf %add3A_86, %exp3A_129 : vector<16xf32>
      %add3A_131 = arith.constant 650 : i32
      %add3A_132 = vector.broadcast %add3A_131 : i32 to vector<16xi32>
      %add3A_133 = arith.addi %add3A_132, %get3A_16 : vector<16xi32>
      %get3A_134 = arith.constant 10 : i64
      %get3A_135 = arith.index_cast %get3A_134 : i64 to index
      %get3A_136 = arith.index_cast %mul3A_15 : i32 to index
      %get3A_137 = tpu.vector_load %arg6[%get3A_135, %get3A_136] {strides = array<i32>} : memref<16x3328xf32, #tpu.memory_space<vmem>>, vector<16xf32>,
      %gather3A_138 = tpu.vector_load_idx %arg8[%add3A_133] : memref<1040xf32, #tpu.memory_space<vmem>>[vector<16xi32>], vector<16xf32>,
      %sub3A_139 = arith.subf %get3A_137, %gather3A_138 : vector<16xf32>
      %exp3A_140 = math.exp %sub3A_139 : vector<16xf32>
      %add3A_141 = arith.addf %add3A_97, %exp3A_140 : vector<16xf32>
      %add3A_142 = arith.constant 715 : i32
      %add3A_143 = vector.broadcast %add3A_142 : i32 to vector<16xi32>
      %add3A_144 = arith.addi %add3A_143, %get3A_16 : vector<16xi32>
      %get3A_145 = arith.constant 11 : i64
      %get3A_146 = arith.index_cast %get3A_145 : i64 to index
      %get3A_147 = arith.index_cast %mul3A_15 : i32 to index
      %get3A_148 = tpu.vector_load %arg6[%get3A_146, %get3A_147] {strides = array<i32>} : memref<16x3328xf32, #tpu.memory_space<vmem>>, vector<16xf32>,
      %gather3A_149 = tpu.vector_load_idx %arg8[%add3A_144] : memref<1040xf32, #tpu.memory_space<vmem>>[vector<16xi32>], vector<16xf32>,
      %sub3A_150 = arith.subf %get3A_148, %gather3A_149 : vector<16xf32>
      %exp3A_151 = math.exp %sub3A_150 : vector<16xf32>
      %add3A_152 = arith.addf %add3A_108, %exp3A_151 : vector<16xf32>
      %add3A_153 = arith.constant 780 : i32
      %add3A_154 = vector.broadcast %add3A_153 : i32 to vector<16xi32>
      %add3A_155 = arith.addi %add3A_154, %get3A_16 : vector<16xi32>
      %get3A_156 = arith.constant 12 : i64
      %get3A_157 = arith.index_cast %get3A_156 : i64 to index
      %get3A_158 = arith.index_cast %mul3A_15 : i32 to index
      %get3A_159 = tpu.vector_load %arg6[%get3A_157, %get3A_158] {strides = array<i32>} : memref<16x3328xf32, #tpu.memory_space<vmem>>, vector<16xf32>,
      %gather3A_160 = tpu.vector_load_idx %arg8[%add3A_155] : memref<1040xf32, #tpu.memory_space<vmem>>[vector<16xi32>], vector<16xf32>,
      %sub3A_161 = arith.subf %get3A_159, %gather3A_160 : vector<16xf32>
      %exp3A_162 = math.exp %sub3A_161 : vector<16xf32>
      %add3A_163 = arith.addf %add3A_119, %exp3A_162 : vector<16xf32>
      %add3A_164 = arith.constant 845 : i32
      %add3A_165 = vector.broadcast %add3A_164 : i32 to vector<16xi32>
      %add3A_166 = arith.addi %add3A_165, %get3A_16 : vector<16xi32>
      %get3A_167 = arith.constant 13 : i64
      %get3A_168 = arith.index_cast %get3A_167 : i64 to index
      %get3A_169 = arith.index_cast %mul3A_15 : i32 to index
      %get3A_170 = tpu.vector_load %arg6[%get3A_168, %get3A_169] {strides = array<i32>} : memref<16x3328xf32, #tpu.memory_space<vmem>>, vector<16xf32>,
      %gather3A_171 = tpu.vector_load_idx %arg8[%add3A_166] : memref<1040xf32, #tpu.memory_space<vmem>>[vector<16xi32>], vector<16xf32>,
      %sub3A_172 = arith.subf %get3A_170, %gather3A_171 : vector<16xf32>
      %exp3A_173 = math.exp %sub3A_172 : vector<16xf32>
      %add3A_174 = arith.addf %add3A_130, %exp3A_173 : vector<16xf32>
      %add3A_175 = arith.constant 910 : i32
      %add3A_176 = vector.broadcast %add3A_175 : i32 to vector<16xi32>
      %add3A_177 = arith.addi %add3A_176, %get3A_16 : vector<16xi32>
      %get3A_178 = arith.constant 14 : i64
      %get3A_179 = arith.index_cast %get3A_178 : i64 to index
      %get3A_180 = arith.index_cast %mul3A_15 : i32 to index
      %get3A_181 = tpu.vector_load %arg6[%get3A_179, %get3A_180] {strides = array<i32>} : memref<16x3328xf32, #tpu.memory_space<vmem>>, vector<16xf32>,
      %gather3A_182 = tpu.vector_load_idx %arg8[%add3A_177] : memref<1040xf32, #tpu.memory_space<vmem>>[vector<16xi32>], vector<16xf32>,
      %sub3A_183 = arith.subf %get3A_181, %gather3A_182 : vector<16xf32>
      %exp3A_184 = math.exp %sub3A_183 : vector<16xf32>
      %add3A_185 = arith.addf %add3A_141, %exp3A_184 : vector<16xf32>
      %add3A_186 = arith.constant 975 : i32
      %add3A_187 = vector.broadcast %add3A_186 : i32 to vector<16xi32>
      %add3A_188 = arith.addi %add3A_187, %get3A_16 : vector<16xi32>
      %get3A_189 = arith.constant 15 : i64
      %get3A_190 = arith.index_cast %get3A_189 : i64 to index
      %get3A_191 = arith.index_cast %mul3A_15 : i32 to index
      %get3A_192 = tpu.vector_load %arg6[%get3A_190, %get3A_191] {strides = array<i32>} : memref<16x3328xf32, #tpu.memory_space<vmem>>, vector<16xf32>,
      %gather3A_193 = tpu.vector_load_idx %arg8[%add3A_188] : memref<1040xf32, #tpu.memory_space<vmem>>[vector<16xi32>], vector<16xf32>,
      %sub3A_194 = arith.subf %get3A_192, %gather3A_193 : vector<16xf32>
      %exp3A_195 = math.exp %sub3A_194 : vector<16xf32>
      %add3A_196 = arith.addf %add3A_152, %exp3A_195 : vector<16xf32>
      %add3A_197 = arith.addf %add3A_163, %add3A_174 : vector<16xf32>
      %add3A_198 = arith.addf %add3A_185, %add3A_196 : vector<16xf32>
      %add3A_199 = arith.addf %add3A_197, %add3A_198 : vector<16xf32>
      %neg3A = arith.constant 0.000000e+00 : f32
      %neg3A_200 = vector.broadcast %neg3A : f32 to vector<16xf32>
      %neg3A_201 = arith.subf %neg3A_200, %add3A_199 : vector<16xf32>
      %exp3A_202 = math.exp %neg3A_201 : vector<16xf32>
      %add3A_203 = arith.constant 1.000000e+00 : f32
      %add3A_204 = vector.broadcast %add3A_203 : f32 to vector<16xf32>
      %add3A_205 = arith.addf %add3A_204, %exp3A_202 : vector<16xf32>
      %div3A = arith.constant 1.000000e+00 : f32
      %div3A_206 = vector.broadcast %div3A : f32 to vector<16xf32>
      %div3A_207 = arith.divf %div3A_206, %add3A_205 : vector<16xf32>
      %sub3A_208 = arith.constant 5.000000e-01 : f32
      %sub3A_209 = vector.broadcast %sub3A_208 : f32 to vector<16xf32>
      %sub3A_210 = arith.subf %div3A_207, %sub3A_209 : vector<16xf32>
      %sign3A = tpu.bitcast %sub3A_210 : vector<16xf32> -> vector<16xi32>
      %sign3A_211 = arith.constant -2147483648 : i32
      %sign3A_212 = vector.broadcast %sign3A_211 : i32 to vector<16xi32>
      %sign3A_213 = arith.andi %sign3A, %sign3A_212 : vector<16xi32>
      %sign3A_214 = arith.constant 1065353216 : i32
      %sign3A_215 = vector.broadcast %sign3A_214 : i32 to vector<16xi32>
      %sign3A_216 = arith.ori %sign3A_215, %sign3A_213 : vector<16xi32>
      %sign3A_217 = tpu.bitcast %sign3A_216 : vector<16xi32> -> vector<16xf32>
      %sign3A_218 = math.absf %sub3A_210 : vector<16xf32>
      %sign3A_219 = arith.constant 0.000000e+00 : f32
      %sign3A_220 = vector.broadcast %sign3A_219 : f32 to vector<16xf32>
      %sign3A_221 = arith.cmpf ogt, %sign3A_218, %sign3A_220 : vector<16xf32>
      %sign3A_222 = arith.select %sign3A_221, %sign3A_217, %sub3A_210 : vector<16xi1>, vector<16xf32>
      %max3A = arith.constant 0.000000e+00 : f32
      %max3A_223 = vector.broadcast %max3A : f32 to vector<16xf32>
      %max3A_224 = arith.maximumf %sign3A_222, %max3A_223 : vector<16xf32>
      %swap3A = arith.index_cast %mul3A_15 : i32 to index
      %swap3A_225 = tpu.vector_load %arg9[%swap3A] {strides = array<i32>} : memref<3328xf32, #tpu.memory_space<vmem>>, vector<16xf32>,
      tpu.vector_store %arg9[%swap3A], %max3A_224 {strides = array<i32>} : memref<3328xf32, #tpu.memory_space<vmem>>, vector<16xf32>,
    }
    "tpu.region"() ({
      %run_scoped3A = tpu.sem_alloc : memref<!tpu.dma_semaphore, #tpu.memory_space<semaphore_mem>>
      %dma_start3A = tpu.memref_slice %arg5[%mul3A_2] : memref<106496xf32, #tpu.memory_space<hbm>> -> memref<3328xf32, #tpu.memory_space<hbm>>
      %dma_start3A_13 = tpu.memref_slice %arg5[%mul3A_2] : memref<106496xf32, #tpu.memory_space<hbm>> -> memref<3328xf32, #tpu.memory_space<hbm>>
      tpu.enqueue_dma source(%arg9 : memref<3328xf32, #tpu.memory_space<vmem>>) target(%dma_start3A_13 : memref<3328xf32, #tpu.memory_space<hbm>>) target_semaphore(%run_scoped3A : memref<!tpu.dma_semaphore, #tpu.memory_space<semaphore_mem>>)
      %dma_wait3A = tpu.memref_slice %arg5[%mul3A_2] : memref<106496xf32, #tpu.memory_space<hbm>> -> memref<3328xf32, #tpu.memory_space<hbm>>
      %dma_wait3A_14 = tpu.memref_slice %arg5[%mul3A_2] : memref<106496xf32, #tpu.memory_space<hbm>> -> memref<3328xf32, #tpu.memory_space<hbm>>
      tpu.wait_dma2 semaphore(%run_scoped3A : memref<!tpu.dma_semaphore, #tpu.memory_space<semaphore_mem>>) src(%arg9 : memref<3328xf32, #tpu.memory_space<vmem>>) dst(%dma_wait3A_14 : memref<3328xf32, #tpu.memory_space<hbm>>)
      tpu.yield
    }) : () -> ()
    return
  }
}

module attributes {stable_mosaic.version = 14 : i64} {
  func.func @_stage1_body(%arg0: i32, %arg1: memref<1x1x8192xi32, #tpu.memory_space<vmem>>, %arg2: memref<8192x128xf32, #tpu.memory_space<vmem>>, %arg3: memref<128x128xf32, #tpu.memory_space<vmem>>, %arg4: memref<1x128xf32, #tpu.memory_space<vmem>>, %arg5: memref<64x16x128xf32, #tpu.memory_space<vmem>>, %arg6: memref<16x8192xf32, #tpu.memory_space<vmem>>, %arg7: memref<16x65xf32, #tpu.memory_space<vmem>>, %arg8: memref<16x64xf32, #tpu.memory_space<vmem>>, %arg9: memref<16x64xf32, #tpu.memory_space<vmem>>, %arg10: memref<1x64xf32, #tpu.memory_space<vmem>>) attributes {dimension_semantics = [#tpu.dimension_semantics<arbitrary>], iteration_bounds = array<i64: 13>, scalar_prefetch = 0 : i64, scratch_operands = 3 : i64, tpu.core_type = #tpu.core_type<tc>, window_params = [{transform_indices = @transform_0, window_bounds = array<i64: 1, 1, 8192>}, {transform_indices = @transform_1, window_bounds = array<i64: 8192, 128>}, {pipeline_mode = #tpu.pipeline_mode<synchronous>, transform_indices = @transform_2, window_bounds = array<i64: 128, 128>}, {pipeline_mode = #tpu.pipeline_mode<synchronous>, transform_indices = @transform_3, window_bounds = array<i64: 1, 128>}, {pipeline_mode = #tpu.pipeline_mode<synchronous>, transform_indices = @transform_4, window_bounds = array<i64: 64, 16, 128>}, {transform_indices = @transform_5, window_bounds = array<i64: 16, 8192>}, {pipeline_mode = #tpu.pipeline_mode<synchronous>, transform_indices = @transform_6, window_bounds = array<i64: 16, 65>}]} {
    %eq3A = arith.constant 0 : i32
    %eq3A_0 = arith.cmpi eq, %arg0, %eq3A : i32
    %convert_element_type3A = arith.extui %eq3A_0 : i1 to i32
    %cond3A = arith.constant 0 : i32
    %cond3A_1 = arith.cmpi ne, %convert_element_type3A, %cond3A : i32
    scf.if %cond3A_1 {
      %broadcast_in_dim3A_172 = arith.constant -1.000000e+30 : f32
      %broadcast_in_dim3A_173 = vector.broadcast %broadcast_in_dim3A_172 : f32 to vector<16x64xf32>
      %swap3A_174 = arith.constant 0 : index
      %swap3A_175 = arith.constant 0 : index
      %swap3A_176 = vector.load %arg8[%swap3A_174, %swap3A_175] : memref<16x64xf32, #tpu.memory_space<vmem>>, vector<16x64xf32>
      tpu.vector_store %arg8[%swap3A_174, %swap3A_175], %broadcast_in_dim3A_173 {strides = array<i32>} : memref<16x64xf32, #tpu.memory_space<vmem>>, vector<16x64xf32>,
      %broadcast_in_dim3A_177 = arith.constant 0.000000e+00 : f32
      %broadcast_in_dim3A_178 = vector.broadcast %broadcast_in_dim3A_177 : f32 to vector<16x64xf32>
      %swap3A_179 = arith.constant 0 : index
      %swap3A_180 = arith.constant 0 : index
      %swap3A_181 = vector.load %arg9[%swap3A_179, %swap3A_180] : memref<16x64xf32, #tpu.memory_space<vmem>>, vector<16x64xf32>
      tpu.vector_store %arg9[%swap3A_179, %swap3A_180], %broadcast_in_dim3A_178 {strides = array<i32>} : memref<16x64xf32, #tpu.memory_space<vmem>>, vector<16x64xf32>,
      %broadcast_in_dim3A_182 = arith.constant 0.000000e+00 : f32
      %broadcast_in_dim3A_183 = vector.broadcast %broadcast_in_dim3A_182 : f32 to vector<1x64xf32>
      %swap3A_184 = arith.constant 0 : index
      %swap3A_185 = arith.constant 0 : index
      %swap3A_186 = vector.load %arg10[%swap3A_184, %swap3A_185] : memref<1x64xf32, #tpu.memory_space<vmem>>, vector<1x64xf32>
      tpu.vector_store %arg10[%swap3A_184, %swap3A_185], %broadcast_in_dim3A_183 {strides = array<i32>} : memref<1x64xf32, #tpu.memory_space<vmem>>, vector<1x64xf32>,
    } else {
    }
    %get3A = arith.constant 0 : index
    %get3A_2 = arith.constant 0 : index
    %get3A_3 = vector.load %arg2[%get3A, %get3A_2] : memref<8192x128xf32, #tpu.memory_space<vmem>>, vector<8192x128xf32>
    %get3A_4 = arith.constant 0 : index
    %get3A_5 = arith.constant 0 : index
    %get3A_6 = vector.load %arg3[%get3A_4, %get3A_5] : memref<128x128xf32, #tpu.memory_space<vmem>>, vector<128x128xf32>
    %dot_general3A = arith.constant dense<0.000000e+00> : vector<8192x128xf32>
    %dot_general3A_7 = tpu.matmul %get3A_3, %get3A_6, %dot_general3A {dimension_numbers = #tpu.dot_dimension_numbers<[1], [1], [0], [0], [0, 0, 1, 0], [], []>, transpose_lhs_hint = false} : vector<8192x128xf32>, vector<128x128xf32>, vector<8192x128xf32> -> vector<8192x128xf32>
    %get3A_8 = arith.constant 0 : index
    %get3A_9 = arith.constant 0 : index
    %get3A_10 = vector.load %arg4[%get3A_8, %get3A_9] : memref<1x128xf32, #tpu.memory_space<vmem>>, vector<1x128xf32>
    %add3A = vector.broadcast %get3A_10 : vector<1x128xf32> to vector<8192x128xf32>
    %add3A_11 = arith.addf %dot_general3A_7, %add3A : vector<8192x128xf32>
    %mul3A = arith.constant 5.000000e-01 : f32
    %mul3A_12 = vector.broadcast %mul3A : f32 to vector<8192x128xf32>
    %mul3A_13 = arith.mulf %mul3A_12, %add3A_11 : vector<8192x128xf32>
    %mul3A_14 = arith.constant 0.707106769 : f32
    %mul3A_15 = vector.broadcast %mul3A_14 : f32 to vector<8192x128xf32>
    %mul3A_16 = arith.mulf %add3A_11, %mul3A_15 : vector<8192x128xf32>
    %erf3A = math.erf %mul3A_16 : vector<8192x128xf32>
    %add3A_17 = arith.constant 1.000000e+00 : f32
    %add3A_18 = vector.broadcast %add3A_17 : f32 to vector<8192x128xf32>
    %add3A_19 = arith.addf %add3A_18, %erf3A : vector<8192x128xf32>
    %mul3A_20 = arith.mulf %mul3A_13, %add3A_19 : vector<8192x128xf32>
    %get3A_21 = arith.constant 0 : index
    %get3A_22 = arith.constant 0 : index
    %get3A_23 = arith.constant 0 : index
    %get3A_24 = vector.load %arg1[%get3A_21, %get3A_22, %get3A_23] : memref<1x1x8192xi32, #tpu.memory_space<vmem>>, vector<1x1x8192xi32>
    %get3A_25 = vector.shape_cast %get3A_24 : vector<1x1x8192xi32> to vector<1x8192xi32>
    %reduce_min3A = vector.shape_cast %get3A_25 : vector<1x8192xi32> to vector<1x1x8192xi32>
    %reduce_min3A_26 = arith.constant dense<2147483647> : vector<1xi32>
    %reduce_min3A_27 = vector.multi_reduction <minsi>, %reduce_min3A, %reduce_min3A_26 [1, 2] : vector<1x1x8192xi32> to vector<1xi32>
    %reduce_min3A_28 = vector.shape_cast %reduce_min3A_27 : vector<1xi32> to vector<1x1x1xi32>
    %reduce_min3A_29 = vector.extract %reduce_min3A_28[0, 0, 0] : i32 from vector<1x1x1xi32>
    %reduce_max3A = vector.shape_cast %get3A_25 : vector<1x8192xi32> to vector<1x1x8192xi32>
    %reduce_max3A_30 = arith.constant dense<-2147483648> : vector<1xi32>
    %reduce_max3A_31 = vector.multi_reduction <maxsi>, %reduce_max3A, %reduce_max3A_30 [1, 2] : vector<1x1x8192xi32> to vector<1xi32>
    %reduce_max3A_32 = vector.shape_cast %reduce_max3A_31 : vector<1xi32> to vector<1x1x1xi32>
    %reduce_max3A_33 = vector.extract %reduce_max3A_32[0, 0, 0] : i32 from vector<1x1x1xi32>
    %min3A = arith.constant 63 : i32
    %min3A_34 = arith.minsi %reduce_max3A_33, %min3A : i32
    %min3A_35 = arith.constant 56 : i32
    %min3A_36 = arith.minsi %reduce_min3A_29, %min3A_35 : i32
    %get3A_37 = arith.index_cast %min3A_36 : i32 to index
    %get3A_38 = arith.constant 0 : index
    %get3A_39 = arith.constant 0 : index
    %get3A_40 = vector.load %arg5[%get3A_37, %get3A_38, %get3A_39] : memref<64x16x128xf32, #tpu.memory_space<vmem>>, vector<8x16x128xf32>
    %reshape3A = vector.shape_cast %get3A_40 : vector<8x16x128xf32> to vector<128x128xf32>
    %dot_general3A_41 = arith.constant dense<0.000000e+00> : vector<128x8192xf32>
    %dot_general3A_42 = tpu.matmul %reshape3A, %mul3A_20, %dot_general3A_41 {dimension_numbers = #tpu.dot_dimension_numbers<[1], [1], [0], [0], [0, 0, 1, 0], [], []>, transpose_lhs_hint = false} : vector<128x128xf32>, vector<8192x128xf32>, vector<128x8192xf32> -> vector<128x8192xf32>
    %sub3A = vector.broadcast %min3A_36 : i32 to vector<1x8192xi32>
    %sub3A_43 = arith.subi %get3A_25, %sub3A : vector<1x8192xi32>
    %broadcast_in_dim3A = arith.constant 0.000000e+00 : f32
    %broadcast_in_dim3A_44 = vector.broadcast %broadcast_in_dim3A : f32 to vector<16x8192xf32>
    %eq3A_45 = arith.constant 0 : i32
    %eq3A_46 = vector.broadcast %eq3A_45 : i32 to vector<1x8192xi32>
    %eq3A_47 = arith.cmpi eq, %sub3A_43, %eq3A_46 : vector<1x8192xi32>
    %slice3A = vector.extract_strided_slice %dot_general3A_42 {offsets = [0, 0], sizes = [16, 8192], strides = [1, 1]} : vector<128x8192xf32> to vector<16x8192xf32>
    %broadcast_in_dim3A_48 = vector.shape_cast %eq3A_47 : vector<1x8192xi1> to vector<1x8192xi1>
    %broadcast_in_dim3A_49 = vector.broadcast %broadcast_in_dim3A_48 : vector<1x8192xi1> to vector<16x8192xi1>
    %select_n3A = arith.select %broadcast_in_dim3A_49, %slice3A, %broadcast_in_dim3A_44 : vector<16x8192xi1>, vector<16x8192xf32>
    %eq3A_50 = arith.constant 1 : i32
    %eq3A_51 = vector.broadcast %eq3A_50 : i32 to vector<1x8192xi32>
    %eq3A_52 = arith.cmpi eq, %sub3A_43, %eq3A_51 : vector<1x8192xi32>
    %slice3A_53 = vector.extract_strided_slice %dot_general3A_42 {offsets = [16, 0], sizes = [16, 8192], strides = [1, 1]} : vector<128x8192xf32> to vector<16x8192xf32>
    %broadcast_in_dim3A_54 = vector.shape_cast %eq3A_52 : vector<1x8192xi1> to vector<1x8192xi1>
    %broadcast_in_dim3A_55 = vector.broadcast %broadcast_in_dim3A_54 : vector<1x8192xi1> to vector<16x8192xi1>
    %select_n3A_56 = arith.select %broadcast_in_dim3A_55, %slice3A_53, %select_n3A : vector<16x8192xi1>, vector<16x8192xf32>
    %eq3A_57 = arith.constant 2 : i32
    %eq3A_58 = vector.broadcast %eq3A_57 : i32 to vector<1x8192xi32>
    %eq3A_59 = arith.cmpi eq, %sub3A_43, %eq3A_58 : vector<1x8192xi32>
    %slice3A_60 = vector.extract_strided_slice %dot_general3A_42 {offsets = [32, 0], sizes = [16, 8192], strides = [1, 1]} : vector<128x8192xf32> to vector<16x8192xf32>
    %broadcast_in_dim3A_61 = vector.shape_cast %eq3A_59 : vector<1x8192xi1> to vector<1x8192xi1>
    %broadcast_in_dim3A_62 = vector.broadcast %broadcast_in_dim3A_61 : vector<1x8192xi1> to vector<16x8192xi1>
    %select_n3A_63 = arith.select %broadcast_in_dim3A_62, %slice3A_60, %select_n3A_56 : vector<16x8192xi1>, vector<16x8192xf32>
    %eq3A_64 = arith.constant 3 : i32
    %eq3A_65 = vector.broadcast %eq3A_64 : i32 to vector<1x8192xi32>
    %eq3A_66 = arith.cmpi eq, %sub3A_43, %eq3A_65 : vector<1x8192xi32>
    %slice3A_67 = vector.extract_strided_slice %dot_general3A_42 {offsets = [48, 0], sizes = [16, 8192], strides = [1, 1]} : vector<128x8192xf32> to vector<16x8192xf32>
    %broadcast_in_dim3A_68 = vector.shape_cast %eq3A_66 : vector<1x8192xi1> to vector<1x8192xi1>
    %broadcast_in_dim3A_69 = vector.broadcast %broadcast_in_dim3A_68 : vector<1x8192xi1> to vector<16x8192xi1>
    %select_n3A_70 = arith.select %broadcast_in_dim3A_69, %slice3A_67, %select_n3A_63 : vector<16x8192xi1>, vector<16x8192xf32>
    %eq3A_71 = arith.constant 4 : i32
    %eq3A_72 = vector.broadcast %eq3A_71 : i32 to vector<1x8192xi32>
    %eq3A_73 = arith.cmpi eq, %sub3A_43, %eq3A_72 : vector<1x8192xi32>
    %slice3A_74 = vector.extract_strided_slice %dot_general3A_42 {offsets = [64, 0], sizes = [16, 8192], strides = [1, 1]} : vector<128x8192xf32> to vector<16x8192xf32>
    %broadcast_in_dim3A_75 = vector.shape_cast %eq3A_73 : vector<1x8192xi1> to vector<1x8192xi1>
    %broadcast_in_dim3A_76 = vector.broadcast %broadcast_in_dim3A_75 : vector<1x8192xi1> to vector<16x8192xi1>
    %select_n3A_77 = arith.select %broadcast_in_dim3A_76, %slice3A_74, %select_n3A_70 : vector<16x8192xi1>, vector<16x8192xf32>
    %eq3A_78 = arith.constant 5 : i32
    %eq3A_79 = vector.broadcast %eq3A_78 : i32 to vector<1x8192xi32>
    %eq3A_80 = arith.cmpi eq, %sub3A_43, %eq3A_79 : vector<1x8192xi32>
    %slice3A_81 = vector.extract_strided_slice %dot_general3A_42 {offsets = [80, 0], sizes = [16, 8192], strides = [1, 1]} : vector<128x8192xf32> to vector<16x8192xf32>
    %broadcast_in_dim3A_82 = vector.shape_cast %eq3A_80 : vector<1x8192xi1> to vector<1x8192xi1>
    %broadcast_in_dim3A_83 = vector.broadcast %broadcast_in_dim3A_82 : vector<1x8192xi1> to vector<16x8192xi1>
    %select_n3A_84 = arith.select %broadcast_in_dim3A_83, %slice3A_81, %select_n3A_77 : vector<16x8192xi1>, vector<16x8192xf32>
    %eq3A_85 = arith.constant 6 : i32
    %eq3A_86 = vector.broadcast %eq3A_85 : i32 to vector<1x8192xi32>
    %eq3A_87 = arith.cmpi eq, %sub3A_43, %eq3A_86 : vector<1x8192xi32>
    %slice3A_88 = vector.extract_strided_slice %dot_general3A_42 {offsets = [96, 0], sizes = [16, 8192], strides = [1, 1]} : vector<128x8192xf32> to vector<16x8192xf32>
    %broadcast_in_dim3A_89 = vector.shape_cast %eq3A_87 : vector<1x8192xi1> to vector<1x8192xi1>
    %broadcast_in_dim3A_90 = vector.broadcast %broadcast_in_dim3A_89 : vector<1x8192xi1> to vector<16x8192xi1>
    %select_n3A_91 = arith.select %broadcast_in_dim3A_90, %slice3A_88, %select_n3A_84 : vector<16x8192xi1>, vector<16x8192xf32>
    %eq3A_92 = arith.constant 7 : i32
    %eq3A_93 = vector.broadcast %eq3A_92 : i32 to vector<1x8192xi32>
    %eq3A_94 = arith.cmpi eq, %sub3A_43, %eq3A_93 : vector<1x8192xi32>
    %slice3A_95 = vector.extract_strided_slice %dot_general3A_42 {offsets = [112, 0], sizes = [16, 8192], strides = [1, 1]} : vector<128x8192xf32> to vector<16x8192xf32>
    %broadcast_in_dim3A_96 = vector.shape_cast %eq3A_94 : vector<1x8192xi1> to vector<1x8192xi1>
    %broadcast_in_dim3A_97 = vector.broadcast %broadcast_in_dim3A_96 : vector<1x8192xi1> to vector<16x8192xi1>
    %select_n3A_98 = arith.select %broadcast_in_dim3A_97, %slice3A_95, %select_n3A_91 : vector<16x8192xi1>, vector<16x8192xf32>
    %add3A_99 = arith.constant 8 : i32
    %add3A_100 = arith.addi %min3A_36, %add3A_99 : i32
    %add3A_101 = arith.constant 1 : i32
    %add3A_102 = arith.addi %min3A_34, %add3A_101 : i32
    %while3A = arith.subi %add3A_102, %add3A_100 : i32
    %while3A_103 = arith.addi %add3A_100, %while3A : i32
    %while3A_104 = arith.constant 1 : i32
    %while3A_105 = arith.divsi %while3A, %while3A_104 : i32
    %while3A_106 = arith.muli %while3A_105, %while3A_104 : i32
    %while3A_107 = arith.addi %add3A_100, %while3A_106 : i32
    %while3A_108 = arith.constant 1 : i32
    %while3A_109 = scf.for %while3A_172 = %add3A_100 to %while3A_107 step %while3A_108 iter_args(%while3A_173 = %select_n3A_98) -> (vector<16x8192xf32>)  : i32 {
      %get3A_174 = arith.index_cast %while3A_172 : i32 to index
      %get3A_175 = arith.constant 0 : index
      %get3A_176 = arith.constant 0 : index
      %get3A_177 = vector.load %arg5[%get3A_174, %get3A_175, %get3A_176] : memref<64x16x128xf32, #tpu.memory_space<vmem>>, vector<1x16x128xf32>
      %get3A_178 = vector.shape_cast %get3A_177 : vector<1x16x128xf32> to vector<16x128xf32>
      %dot_general3A_179 = arith.constant dense<0.000000e+00> : vector<16x8192xf32>
      %dot_general3A_180 = tpu.matmul %get3A_178, %mul3A_20, %dot_general3A_179 {dimension_numbers = #tpu.dot_dimension_numbers<[1], [1], [0], [0], [0, 0, 1, 0], [], []>, transpose_lhs_hint = false} : vector<16x128xf32>, vector<8192x128xf32>, vector<16x8192xf32> -> vector<16x8192xf32>
      %eq3A_181 = vector.broadcast %while3A_172 : i32 to vector<1x8192xi32>
      %eq3A_182 = arith.cmpi eq, %get3A_25, %eq3A_181 : vector<1x8192xi32>
      %broadcast_in_dim3A_183 = vector.shape_cast %eq3A_182 : vector<1x8192xi1> to vector<1x8192xi1>
      %broadcast_in_dim3A_184 = vector.broadcast %broadcast_in_dim3A_183 : vector<1x8192xi1> to vector<16x8192xi1>
      %select_n3A_185 = arith.select %broadcast_in_dim3A_184, %dot_general3A_180, %while3A_173 : vector<16x8192xi1>, vector<16x8192xf32>
      scf.yield %select_n3A_185 : vector<16x8192xf32>
    }
    %while3A_110 = arith.constant 1 : i32
    %while3A_111 = scf.for %while3A_172 = %while3A_107 to %while3A_103 step %while3A_110 iter_args(%while3A_173 = %while3A_109) -> (vector<16x8192xf32>)  : i32 {
      %get3A_174 = arith.index_cast %while3A_172 : i32 to index
      %get3A_175 = arith.constant 0 : index
      %get3A_176 = arith.constant 0 : index
      %get3A_177 = vector.load %arg5[%get3A_174, %get3A_175, %get3A_176] : memref<64x16x128xf32, #tpu.memory_space<vmem>>, vector<1x16x128xf32>
      %get3A_178 = vector.shape_cast %get3A_177 : vector<1x16x128xf32> to vector<16x128xf32>
      %dot_general3A_179 = arith.constant dense<0.000000e+00> : vector<16x8192xf32>
      %dot_general3A_180 = tpu.matmul %get3A_178, %mul3A_20, %dot_general3A_179 {dimension_numbers = #tpu.dot_dimension_numbers<[1], [1], [0], [0], [0, 0, 1, 0], [], []>, transpose_lhs_hint = false} : vector<16x128xf32>, vector<8192x128xf32>, vector<16x8192xf32> -> vector<16x8192xf32>
      %eq3A_181 = vector.broadcast %while3A_172 : i32 to vector<1x8192xi32>
      %eq3A_182 = arith.cmpi eq, %get3A_25, %eq3A_181 : vector<1x8192xi32>
      %broadcast_in_dim3A_183 = vector.shape_cast %eq3A_182 : vector<1x8192xi1> to vector<1x8192xi1>
      %broadcast_in_dim3A_184 = vector.broadcast %broadcast_in_dim3A_183 : vector<1x8192xi1> to vector<16x8192xi1>
      %select_n3A_185 = arith.select %broadcast_in_dim3A_184, %dot_general3A_180, %while3A_173 : vector<16x8192xi1>, vector<16x8192xf32>
      scf.yield %select_n3A_185 : vector<16x8192xf32>
    }
    %swap3A = arith.constant 0 : index
    %swap3A_112 = arith.constant 0 : index
    %swap3A_113 = vector.load %arg6[%swap3A, %swap3A_112] : memref<16x8192xf32, #tpu.memory_space<vmem>>, vector<16x8192xf32>
    tpu.vector_store %arg6[%swap3A, %swap3A_112], %while3A_111 {strides = array<i32>} : memref<16x8192xf32, #tpu.memory_space<vmem>>, vector<16x8192xf32>,
    %reduce_max3A_114 = arith.constant dense<0xFF800000> : vector<16xf32>
    %reduce_max3A_115 = vector.multi_reduction <maximumf>, %while3A_111, %reduce_max3A_114 [1] : vector<16x8192xf32> to vector<16xf32>
    %broadcast_in_dim3A_116 = vector.shape_cast %reduce_max3A_115 : vector<16xf32> to vector<16x1xf32>
    %sub3A_117 = vector.broadcast %broadcast_in_dim3A_116 : vector<16x1xf32> to vector<16x8192xf32>
    %sub3A_118 = arith.subf %while3A_111, %sub3A_117 : vector<16x8192xf32>
    %exp3A = math.exp %sub3A_118 : vector<16x8192xf32>
    %iota3A = tpu.iota {dimensions = array<i32: 0>} : vector<64x1xi32>
    %eq3A_119 = vector.broadcast %get3A_25 : vector<1x8192xi32> to vector<64x8192xi32>
    %eq3A_120 = vector.broadcast %iota3A : vector<64x1xi32> to vector<64x8192xi32>
    %eq3A_121 = arith.cmpi eq, %eq3A_119, %eq3A_120 : vector<64x8192xi32>
    %convert_element_type3A_122 = arith.extui %eq3A_121 : vector<64x8192xi1> to vector<64x8192xi32>
    %convert_element_type3A_123 = arith.sitofp %convert_element_type3A_122 : vector<64x8192xi32> to vector<64x8192xf32>
    %dot_general3A_124 = arith.constant dense<0.000000e+00> : vector<16x64xf32>
    %dot_general3A_125 = tpu.matmul %exp3A, %convert_element_type3A_123, %dot_general3A_124 {dimension_numbers = #tpu.dot_dimension_numbers<[1], [1], [0], [0], [0, 0, 1, 0], [], []>, transpose_lhs_hint = false} : vector<16x8192xf32>, vector<64x8192xf32>, vector<16x64xf32> -> vector<16x64xf32>
    %broadcast_in_dim3A_126 = arith.constant 1.000000e+00 : f32
    %broadcast_in_dim3A_127 = vector.broadcast %broadcast_in_dim3A_126 : f32 to vector<1x8192xf32>
    %dot_general3A_128 = arith.constant dense<0.000000e+00> : vector<1x64xf32>
    %dot_general3A_129 = tpu.matmul %broadcast_in_dim3A_127, %convert_element_type3A_123, %dot_general3A_128 {dimension_numbers = #tpu.dot_dimension_numbers<[1], [1], [0], [0], [0, 0, 1, 0], [], []>, transpose_lhs_hint = false} : vector<1x8192xf32>, vector<64x8192xf32>, vector<1x64xf32> -> vector<1x64xf32>
    %gt3A = arith.constant 0.000000e+00 : f32
    %gt3A_130 = vector.broadcast %gt3A : f32 to vector<1x64xf32>
    %gt3A_131 = arith.cmpf ogt, %dot_general3A_129, %gt3A_130 : vector<1x64xf32>
    %get3A_132 = arith.constant 0 : index
    %get3A_133 = arith.constant 0 : index
    %get3A_134 = vector.load %arg8[%get3A_132, %get3A_133] : memref<16x64xf32, #tpu.memory_space<vmem>>, vector<16x64xf32>
    %max3A = vector.broadcast %broadcast_in_dim3A_116 : vector<16x1xf32> to vector<16x64xf32>
    %max3A_135 = arith.maximumf %get3A_134, %max3A : vector<16x64xf32>
    %broadcast_in_dim3A_136 = vector.shape_cast %gt3A_131 : vector<1x64xi1> to vector<1x64xi1>
    %broadcast_in_dim3A_137 = vector.broadcast %broadcast_in_dim3A_136 : vector<1x64xi1> to vector<16x64xi1>
    %select_n3A_138 = arith.select %broadcast_in_dim3A_137, %max3A_135, %get3A_134 : vector<16x64xi1>, vector<16x64xf32>
    %sub3A_139 = vector.broadcast %broadcast_in_dim3A_116 : vector<16x1xf32> to vector<16x64xf32>
    %sub3A_140 = arith.subf %sub3A_139, %select_n3A_138 : vector<16x64xf32>
    %exp3A_141 = math.exp %sub3A_140 : vector<16x64xf32>
    %jit3A = arith.constant 0.000000e+00 : f32
    %broadcast_in_dim3A_142 = vector.shape_cast %gt3A_131 : vector<1x64xi1> to vector<1x64xi1>
    %broadcast_in_dim3A_143 = vector.broadcast %broadcast_in_dim3A_142 : vector<1x64xi1> to vector<16x64xi1>
    %broadcast_in_dim3A_144 = vector.broadcast %jit3A : f32 to vector<16x64xf32>
    %select_n3A_145 = arith.select %broadcast_in_dim3A_143, %exp3A_141, %broadcast_in_dim3A_144 : vector<16x64xi1>, vector<16x64xf32>
    %get3A_146 = arith.constant 0 : index
    %get3A_147 = arith.constant 0 : index
    %get3A_148 = vector.load %arg9[%get3A_146, %get3A_147] : memref<16x64xf32, #tpu.memory_space<vmem>>, vector<16x64xf32>
    %sub3A_149 = arith.subf %get3A_134, %select_n3A_138 : vector<16x64xf32>
    %exp3A_150 = math.exp %sub3A_149 : vector<16x64xf32>
    %mul3A_151 = arith.mulf %get3A_148, %exp3A_150 : vector<16x64xf32>
    %mul3A_152 = arith.mulf %dot_general3A_125, %select_n3A_145 : vector<16x64xf32>
    %add3A_153 = arith.addf %mul3A_151, %mul3A_152 : vector<16x64xf32>
    %swap3A_154 = arith.constant 0 : index
    %swap3A_155 = arith.constant 0 : index
    %swap3A_156 = vector.load %arg9[%swap3A_154, %swap3A_155] : memref<16x64xf32, #tpu.memory_space<vmem>>, vector<16x64xf32>
    tpu.vector_store %arg9[%swap3A_154, %swap3A_155], %add3A_153 {strides = array<i32>} : memref<16x64xf32, #tpu.memory_space<vmem>>, vector<16x64xf32>,
    %swap3A_157 = arith.constant 0 : index
    %swap3A_158 = arith.constant 0 : index
    %swap3A_159 = vector.load %arg8[%swap3A_157, %swap3A_158] : memref<16x64xf32, #tpu.memory_space<vmem>>, vector<16x64xf32>
    tpu.vector_store %arg8[%swap3A_157, %swap3A_158], %select_n3A_138 {strides = array<i32>} : memref<16x64xf32, #tpu.memory_space<vmem>>, vector<16x64xf32>,
    %get3A_160 = arith.constant 0 : index
    %get3A_161 = arith.constant 0 : index
    %get3A_162 = vector.load %arg10[%get3A_160, %get3A_161] : memref<1x64xf32, #tpu.memory_space<vmem>>, vector<1x64xf32>
    %add3A_163 = arith.addf %get3A_162, %dot_general3A_129 : vector<1x64xf32>
    %swap3A_164 = arith.constant 0 : index
    %swap3A_165 = arith.constant 0 : index
    %swap3A_166 = vector.load %arg10[%swap3A_164, %swap3A_165] : memref<1x64xf32, #tpu.memory_space<vmem>>, vector<1x64xf32>
    tpu.vector_store %arg10[%swap3A_164, %swap3A_165], %add3A_163 {strides = array<i32>} : memref<1x64xf32, #tpu.memory_space<vmem>>, vector<1x64xf32>,
    %eq3A_167 = arith.constant 12 : i32
    %eq3A_168 = arith.cmpi eq, %arg0, %eq3A_167 : i32
    %convert_element_type3A_169 = arith.extui %eq3A_168 : i1 to i32
    %cond3A_170 = arith.constant 0 : i32
    %cond3A_171 = arith.cmpi ne, %convert_element_type3A_169, %cond3A_170 : i32
    scf.if %cond3A_171 {
      %get3A_172 = arith.constant 0 : index
      %get3A_173 = arith.constant 0 : index
      %get3A_174 = vector.load %arg10[%get3A_172, %get3A_173] : memref<1x64xf32, #tpu.memory_space<vmem>>, vector<1x64xf32>
      %reduce_max3A_175 = vector.shape_cast %get3A_174 : vector<1x64xf32> to vector<1x1x64xf32>
      %reduce_max3A_176 = arith.constant dense<0xFF800000> : vector<1xf32>
      %reduce_max3A_177 = vector.multi_reduction <maximumf>, %reduce_max3A_175, %reduce_max3A_176 [1, 2] : vector<1x1x64xf32> to vector<1xf32>
      %reduce_max3A_178 = vector.shape_cast %reduce_max3A_177 : vector<1xf32> to vector<1x1x1xf32>
      %reduce_max3A_179 = vector.extract %reduce_max3A_178[0, 0, 0] : f32 from vector<1x1x1xf32>
      %sub3A_180 = vector.broadcast %reduce_max3A_179 : f32 to vector<1x64xf32>
      %sub3A_181 = arith.subf %sub3A_180, %get3A_174 : vector<1x64xf32>
      %get3A_182 = arith.constant 0 : index
      %get3A_183 = arith.constant 0 : index
      %get3A_184 = vector.load %arg8[%get3A_182, %get3A_183] : memref<16x64xf32, #tpu.memory_space<vmem>>, vector<16x64xf32>
      %gt3A_185 = arith.constant 0.000000e+00 : f32
      %gt3A_186 = vector.broadcast %gt3A_185 : f32 to vector<1x64xf32>
      %gt3A_187 = arith.cmpf ogt, %sub3A_181, %gt3A_186 : vector<1x64xf32>
      %max3A_188 = arith.constant 0.000000e+00 : f32
      %max3A_189 = vector.broadcast %max3A_188 : f32 to vector<16x64xf32>
      %max3A_190 = arith.maximumf %get3A_184, %max3A_189 : vector<16x64xf32>
      %broadcast_in_dim3A_191 = vector.shape_cast %gt3A_187 : vector<1x64xi1> to vector<1x64xi1>
      %broadcast_in_dim3A_192 = vector.broadcast %broadcast_in_dim3A_191 : vector<1x64xi1> to vector<16x64xi1>
      %select_n3A_193 = arith.select %broadcast_in_dim3A_192, %max3A_190, %get3A_184 : vector<16x64xi1>, vector<16x64xf32>
      %get3A_194 = arith.constant 0 : index
      %get3A_195 = arith.constant 0 : index
      %get3A_196 = vector.load %arg9[%get3A_194, %get3A_195] : memref<16x64xf32, #tpu.memory_space<vmem>>, vector<16x64xf32>
      %sub3A_197 = arith.subf %get3A_184, %select_n3A_193 : vector<16x64xf32>
      %exp3A_198 = math.exp %sub3A_197 : vector<16x64xf32>
      %mul3A_199 = arith.mulf %get3A_196, %exp3A_198 : vector<16x64xf32>
      %neg3A = arith.constant 0.000000e+00 : f32
      %neg3A_200 = vector.broadcast %neg3A : f32 to vector<16x64xf32>
      %neg3A_201 = arith.subf %neg3A_200, %select_n3A_193 : vector<16x64xf32>
      %exp3A_202 = math.exp %neg3A_201 : vector<16x64xf32>
      %mul3A_203 = vector.broadcast %sub3A_181 : vector<1x64xf32> to vector<16x64xf32>
      %mul3A_204 = arith.mulf %mul3A_203, %exp3A_202 : vector<16x64xf32>
      %add3A_205 = arith.addf %mul3A_199, %mul3A_204 : vector<16x64xf32>
      %log3A = math.log %add3A_205 : vector<16x64xf32>
      %add3A_206 = arith.addf %select_n3A_193, %log3A : vector<16x64xf32>
      %broadcast_in_dim3A_207 = arith.constant 1.000000e+30 : f32
      %broadcast_in_dim3A_208 = vector.broadcast %broadcast_in_dim3A_207 : f32 to vector<16x1xf32>
      %concatenate3A = tpu.concatenate %add3A_206, %broadcast_in_dim3A_208 in 1 : vector<16x64xf32>, vector<16x1xf32> -> vector<16x65xf32>
      %swap3A_209 = arith.constant 0 : index
      %swap3A_210 = arith.constant 0 : index
      %swap3A_211 = vector.load %arg7[%swap3A_209, %swap3A_210] : memref<16x65xf32, #tpu.memory_space<vmem>>, vector<16x65xf32>
      tpu.vector_store %arg7[%swap3A_209, %swap3A_210], %concatenate3A {strides = array<i32>} : memref<16x65xf32, #tpu.memory_space<vmem>>, vector<16x65xf32>,
    } else {
    }
    return
  }
  func.func @transform_0(%arg0: i32) -> (i32, i32, i32) {
    %c0_i32 = arith.constant 0 : i32
    %c0_i32_0 = arith.constant 0 : i32
    %c0_i32_1 = arith.constant 0 : i32
    return %arg0, %c0_i32, %c0_i32_0 : i32, i32, i32
  }
  func.func @transform_1(%arg0: i32) -> (i32, i32) {
    %c0_i32 = arith.constant 0 : i32
    %c0_i32_0 = arith.constant 0 : i32
    return %arg0, %c0_i32 : i32, i32
  }
  func.func @transform_2(%arg0: i32) -> (i32, i32) {
    %c0_i32 = arith.constant 0 : i32
    %c0_i32_0 = arith.constant 0 : i32
    %c0_i32_1 = arith.constant 0 : i32
    return %c0_i32, %c0_i32_0 : i32, i32
  }
  func.func @transform_3(%arg0: i32) -> (i32, i32) {
    %c0_i32 = arith.constant 0 : i32
    %c0_i32_0 = arith.constant 0 : i32
    %c0_i32_1 = arith.constant 0 : i32
    return %c0_i32, %c0_i32_0 : i32, i32
  }
  func.func @transform_4(%arg0: i32) -> (i32, i32, i32) {
    %c0_i32 = arith.constant 0 : i32
    %c0_i32_0 = arith.constant 0 : i32
    %c0_i32_1 = arith.constant 0 : i32
    %c0_i32_2 = arith.constant 0 : i32
    return %c0_i32, %c0_i32_0, %c0_i32_1 : i32, i32, i32
  }
  func.func @transform_5(%arg0: i32) -> (i32, i32) {
    %c0_i32 = arith.constant 0 : i32
    %c0_i32_0 = arith.constant 0 : i32
    return %c0_i32, %arg0 : i32, i32
  }
  func.func @transform_6(%arg0: i32) -> (i32, i32) {
    %c0_i32 = arith.constant 0 : i32
    %c0_i32_0 = arith.constant 0 : i32
    %c0_i32_1 = arith.constant 0 : i32
    return %c0_i32, %c0_i32_0 : i32, i32
  }
}

</mosaic_0001>

<sc_bundles>
// kernel: kernel.4.cloned.1.call-start
scs
__scs_entry_jumppad:
0x0: {  	(pc) =	sbr.rel $0x88, $3  }
0x1: {  	(tag) =	ssettag $0x0;
	lr =	simm.s32 $0x1  }
0x2: {  	[smem:$0x3F9C] =	sst lr;
	_ =	strace $0xD0000000  }
0x3: {  	_ = 	snop  }
0x4: {  	_ = 	snop  }
0x5: {  	_ = 	snop  }
0x6: {  	_ = 	snop  }
0x7: {  	_ = 	snop  }
__scs_overlays_trampoline_lowered:
0x8: {  	[smem:$0x3FAB] =	sst s0  }
0x9: {  	[smem:$0x3FAC] =	sst s1  }
0xa: {  	[smem:$0x3FAD] =	sst s2  }
0xb: {  	[smem:$0x3FAE] =	sst s3  }
0xc: {  	[smem:$0x3FAF] =	sst s4  }
0xd: {  	[smem:$0x3FB0] =	sst s5  }
0xe: {  	[smem:$0x3FB1] =	sst s6  }
0xf: {  	[smem:$0x3FB2] =	sst s7  }
0x10: {  	[smem:$0x3FB3] =	sst s8  }
0x11: {  	[smem:$0x3FB4] =	sst s9;
	s0 =	simm.s32 @!p0 $0x0  }
0x12: {  	s1 =	sld [smem:$0x3F9A];
	s0 =	simm.s32 @p0 $0x1  }
0x13: {  	[smem:$0x3FB5] =	sst s0;
	s0 =	simm.s32 @!p1 $0x0  }
0x14: {  	s2 =	sld [smem:$0x3F99];
	s0 =	simm.s32 @p1 $0x1  }
0x15: {  	[smem:$0x3FB6] =	sst s0;
	s0 =	simm.s32 @!p2 $0x0  }
0x16: {  	s3 =	sld [smem:$0x3FDB];
	s0 =	simm.s32 @p2 $0x1  }
0x17: {  	s4 =	simm.s32 $0x1BF5;
	[smem:$0x3FB8] =	sst s0  }
0x18: {  	s0 =	sld [smem:$0x3F9B];
	_ =	swait.ge [sflag:s4], $0x0  }
0x19: {  	s7 =	sld [smem:$0x3F9C]  }
0x1a: {  	s8 =	sadd.s32 $0xFFFFE003, lr  }
0x1b: {  	s9 =	sadd.s32 $0xFFFFFEF7, lr;
	s5 =	simm.s32 $0xFFFFFFFF;
	p2 =	slt.u32 s8, $0xFFFFF086  }
0x1c: {  	p1 =	slt.u32 s9, $0xF7A;
	s5 =	simm.s32 @!p2 $0x0  }
0x1d: {  	s5 =	simm.s32 @p1 $0x1;
	p0 =	seq.s32 s7, s2  }
0x1e: {  	s7 =	smul.u32 @!p0 $0xF7A, s2;
	p2 =	seq.s32 @!p0 s5, $0x0  }
0x1f: {  	s9 =	smul.u32 $0xF7A, s1;
	s8 =	simm.s32 @!p0 $0x1BF5;
	p2 =	por !p2, p0  }
0x20: {  	[sflag:s8] =	ssyncset.s32 @!p0 $0xFFFFF086;
	s6 =	sadd.s32 @!p0 s3, s7;
	s7 =	simm.s32 @!p0 $0x108  }
0x21: {  	s3 =	sadd.s32 s3, s9;
	s6 =	sadd.s32 @!p0 $0x88, s6;
	s7 =	simm.s32 @p2 $0x1082  }
0x22: {  	[simem:s7], [sflag:s8] =	dma.local @!p0 [hbm:s6], $0xF7A  }
0x23: {  	s9 =	sor.u32 $0xD0000000, s2;
	s6 =	simm.s32 $0x108;
	_ =	swait.ge @!p0 [sflag:s8], $0x0  }
0x24: {  	s3 =	sadd.s32 $0x88, s3;
	s6 =	simm.s32 @!p1 $0x1082;
	[sflag:s4] =	ssyncset.s32 $0xFFFFF086  }
0x25: {  	[simem:s6], [sflag:s4] =	dma.local [hbm:s3], $0xF7A  }
0x26: {  	[smem:$0x3F9C] =	sst s1;
	(tag) =	ssettag s2;
	_ =	strace s9  }
0x27: {  	s1 =	sld [smem:$0x3FAC]  }
0x28: {  	s2 =	sld [smem:$0x3FAD]  }
0x29: {  	s4 =	sld [smem:$0x3FAF]  }
0x2a: {  	p0 =	seq.s32 s5, $0x0;
	s5 =	sld [smem:$0x3FB0]  }
0x2b: {  	s6 =	sld [smem:$0x3FB1]  }
0x2c: {  	s7 =	sld [smem:$0x3FB2]  }
0x2d: {  	s3 =	simm.s32 $0x108;
	s8 =	sld [smem:$0x3FB3]  }
0x2e: {  	s3 =	simm.s32 @!p0 $0x1082;
	s9 =	sld [smem:$0x3FB4]  }
0x2f: {  	lr =	sadd.s32 s0, s3;
	s0 =	sld [smem:$0x3FAB]  }
0x30: {  	s3 =	sld [smem:$0x3FAE]  }
0x31: {  	[smem:$0x3FB7] =	sst s10  }
0x32: {  	s10 =	sld [smem:$0x3FB5];
	_ =	sdelay $0x3  }
0x33: {  	p0 =	seq.s32 s10, $0x1;
	s10 =	sld [smem:$0x3FB7];
	_ =	sdelay $0x3  }
0x34: {  	[smem:$0x3FB7] =	sst s10  }
0x35: {  	s10 =	sld [smem:$0x3FB6];
	_ =	sdelay $0x3  }
0x36: {  	p1 =	seq.s32 s10, $0x1;
	s10 =	sld [smem:$0x3FB7];
	_ =	sdelay $0x3  }
0x37: {  	[smem:$0x3FB7] =	sst s10  }
0x38: {  	s10 =	sld [smem:$0x3FB8]  }
0x39: {  	_ = 	snop;
	(pc) =	sbr.ind lr, $3  }
0x3a: {  	_ = 	snop  }
0x3b: {  	_ = 	snop  }
0x3c: {  	p2 =	seq.s32 s10, $0x1;
	s10 =	sld [smem:$0x3FB7]  }
0x3d: {  	_ =	shalt  }
0x3e: {  	_ =	shalt  }
0x3f: {  	_ =	shalt  }
0x40: {  	_ =	shalt  }
0x41: {  	_ =	shalt  }
0x42: {  	_ =	shalt  }
0x43: {  	_ =	shalt  }
0x44: {  	_ =	shalt  }
0x45: {  	_ =	shalt  }
0x46: {  	_ =	shalt  }
0x47: {  	_ =	shalt  }
0x48: {  	_ =	shalt  }
0x49: {  	_ =	shalt  }
0x4a: {  	_ =	shalt  }
0x4b: {  	_ =	shalt  }
0x4c: {  	_ =	shalt  }
0x4d: {  	_ =	shalt  }
0x4e: {  	_ =	shalt  }
0x4f: {  	_ =	shalt  }
0x50: {  	_ =	shalt  }
0x51: {  	_ =	shalt  }
0x52: {  	_ =	shalt  }
0x53: {  	_ =	shalt  }
0x54: {  	_ =	shalt  }
0x55: {  	_ =	shalt  }
0x56: {  	_ =	shalt  }
0x57: {  	_ =	shalt  }
0x58: {  	_ =	shalt  }
0x59: {  	_ =	shalt  }
0x5a: {  	_ =	shalt  }
0x5b: {  	_ =	shalt  }
0x5c: {  	_ =	shalt  }
0x5d: {  	_ =	shalt  }
0x5e: {  	_ =	shalt  }
0x5f: {  	_ =	shalt  }
0x60: {  	_ =	shalt  }
0x61: {  	_ =	shalt  }
0x62: {  	_ =	shalt  }
0x63: {  	_ =	shalt  }
0x64: {  	_ =	shalt  }
0x65: {  	_ =	shalt  }
0x66: {  	_ =	shalt  }
0x67: {  	_ =	shalt  }
0x68: {  	_ =	shalt  }
0x69: {  	_ =	shalt  }
0x6a: {  	_ =	shalt  }
0x6b: {  	_ =	shalt  }
0x6c: {  	_ =	shalt  }
0x6d: {  	_ =	shalt  }
0x6e: {  	_ =	shalt  }
0x6f: {  	_ =	shalt  }
0x70: {  	_ =	shalt  }
0x71: {  	_ =	shalt  }
0x72: {  	_ =	shalt  }
0x73: {  	_ =	shalt  }
0x74: {  	_ =	shalt  }
0x75: {  	_ =	shalt  }
0x76: {  	_ =	shalt  }
0x77: {  	_ =	shalt  }
0x78: {  	_ =	shalt  }
0x79: {  	_ =	shalt  }
0x7a: {  	_ =	shalt  }
0x7b: {  	_ =	shalt  }
0x7c: {  	_ =	shalt  }
0x7d: {  	_ =	shalt  }
0x7e: {  	_ =	shalt  }
0x7f: {  	_ =	shalt  }
0x80: {  	_ =	shalt  }
0x81: {  	_ =	shalt  }
0x82: {  	_ =	shalt  }
0x83: {  	_ =	shalt  }
0x84: {  	_ =	shalt  }
0x85: {  	_ =	shalt  }
0x86: {  	_ =	shalt  }
0x87: {  	_ =	shalt  }
.Lfunc_end0:
.L_simem_size_0:
called_computation_lowered:
.L_overlay_start_0:
0x88: {  	s2 =	sld [smem:$0x3FD9]  }
0x89: {  	s3 =	sld [smem:$0x3FFE];
	_ =	sdelay $0x1  }
0x8a: {  	s1 =	srdreg.scid  }
0x8b: {  	s0 =	sand.u32 $0x1, s1  }
0x8c: {  	s17 =	sshll.u32 s0, $0xA;
	s2 =	sadd.s32 s3, s2  }
0x8d: {  	s2 =	sadd.s32 s2, s17  }
0x8e: {  	[smem:$0x3FC3] =	sst s2  }
0x8f: {  	_ = 	snop  }
0x90: {  	s2 =	sld [smem:$0x3FD0];
	(tm) =	ssettm $0x1  }
0x91: {  	s18 =	sld [smem:$0x3FFB];
	_ =	sdelay $0x3  }
0x92: {  	_ =	strace s18  }
0x93: {  	s3 =	sld [smem:$0x3FFC];
	_ =	sdelay $0x3  }
0x94: {  	_ =	strace s3  }
0x95: {  	s3 =	sld [smem:$0x3FFD];
	_ =	sdelay $0x3  }
0x96: {  	_ =	strace s3  }
0x97: {  	_ =	strace $0x8FFFFFFF  }
0x98: {  	s19 =	sld [smem:$0x3FDB];
	_ =	sdelay $0x1  }
0x99: {  	s4 =	simm.s32 $_scs_section_size  }
0x9a: {  	s5 =	simm.s32 $_size__tile_overlayer_lowered;
	s6 =	simm.s32 $_tile_overlayer_lowered  }
0x9b: {  	s22 =	simm.s32 $0x1BFF;
	s21 =	sshll.u32 s6, $0x1;
	s3 =	sadd.s32 s4, s19  }
0x9c: {  	s7 =	simm.s32 $0x0;
	s20 =	sshll.u32 s5, $0x1;
	s5 =	sadd.s32 s21, s3  }
0x9d: {  	[timem:s7], [sflag:s22] =	dma.local [hbm:s5], s20  }
0x9e: {  	_ =	swait.ge [sflag:s22], s20  }
0x9f: {  	s4 =	ssub.s32 $0x0, s20;
	[sflag:s22] =	ssyncset.done $0x0  }
0xa0: {  	[sflag:s22] =	ssyncadd.s32 s4;
	_ =	sdelay $0x1  }
0xa1: {  	s23 =	simm.s32 $0x1B8B  }
0xa2: {  	_ =	swait.ge [sflag:s23], $0x1  }
0xa3: {  	[sflag:s23] =	ssyncset.done $0x0  }
0xa4: {  	s25 =	simm.s32 $0x1B8E;
	s24 =	sld [smem:$0x3FFE];
	[sflag:s23] =	ssyncadd.s32 $0xFFFFFFFF  }
0xa5: {  	s26 =	simm.s32 $execute0_lowered;
	[smem:$0x3FD2] =	sst s25  }
0xa6: {  	s5 =	sshll.u32 s26, $0x1;
	_ =	strace $0x80000046;
	[dreg:$0x1] =	wrdreg $0xFFFFFFFF  }
0xa7: {  	s28 =	simm.s32 $_size_execute0_lowered;
	s3 =	sadd.s32 s3, s5;
	[dreg:$0x0] =	wrdreg $0x0  }
0xa8: {  	s5 =	sshll.u32 s28, $0x1;
	[dreg:$0x2] =	wrdreg s3  }
0xa9: {  	[dreg:$0x3] =	wrdreg s5  }
0xaa: {  	[dreg:$0x4] =	wrdreg $0xC0  }
0xab: {  	_ =	task [dreg:s7], $0x5FFFF  }
0xac: {  	[dreg:$0x1] =	wrdreg $0xFFFFFFFF  }
0xad: {  	[dreg:$0x0] =	wrdreg $0x60  }
0xae: {  	[dreg:$0x2] =	wrdreg s24  }
0xaf: {  	[dreg:$0x3] =	wrdreg s2  }
0xb0: {  	[dreg:$0x4] =	wrdreg $0x9  }
0xb1: {  	_ =	task.clear_ibuf [dreg:s7], $0x5FFFF;
	_ =	strace $0x90000046  }
0xb2: {  	s29 =	simm.s32 $0x9;
	_ =	strace $0x80000048  }
0xb3: {  	_ =	swait.ge [sflag:s29], $0x1  }
0xb4: {  	[sflag:s29] =	ssyncadd.s32 $0xFFFFFFFF  }
0xb5: {  	_ =	strace $0x90000048  }
0xb6: {  	_ =	sfence  }
0xb7: {  	s30 =	sld [smem:$0x0];
	_ =	sdelay $0x2  }
0xb8: {  	s31 =	sshll.u32 s1, $0xD;
	s1 =	sshrl.u32 s1, $0x2  }
0xb9: {  	s3 =	sand.u32 $0x4000, s31;
	s1 =	sadd.s32 s1, s30  }
0xba: {  	s0 =	sor.u32 s3, s0;
	s1 =	sshll.u32 s1, $0x11  }
0xbb: {  	s0 =	sor.u32 s1, s0  }
0xbc: {  	s0 =	sadd.s32 $0x8F2B, s0  }
0xbd: {  	[sflag:s0] =	ssyncadd.remote.s32 $0x1  }
0xbe: {  	_ =	sfence.sel $0xFFFF  }
0xbf: {  	[dreg:$0x0] =	wrdreg $0xFFFFFFFF;
	(pc) =	sbr.abs _section_cstart, $3  }
0xc0: {  	[dreg:$0x1] =	wrdreg $0xFFFFFFFF  }
0xc1: {  	_ =	task.clear_ibuf [dreg:s7], $0x2FFFF;
	_ =	strace $0x9FFFFFFF  }
0xc2: {  	(tm) =	ssettm $0x7FFFFFFF  }
0xc3: {  	_ =	shalt  }
tec
execute0_lowered:
.L_overlay_start_1:
0x0: {  	(tag) =	ssettag $0x1  }
0x1: {  	s0 =	srdreg.scid;
	s5 =	rddreg [dreg:$0x0]  }
0x2: {  	s2 =	rddreg [dreg:$0x1];
	s4 =	sand.u32 $0x1, s0  }
0x3: {  	s3 =	simm.s32 $0x0;
	s0 =	stileid.u32;
	s1 =	sshll.u32 s4, $0x4  }
0x4: {  	s9 =	simm.s32 $0xD0000;
	s10 =	simm.s32 $0x1;
	s6 =	sor.u32 s0, s1  }
0x5: {  	s11 =	simm.s32 $0xDD00;
	s12 =	simm.s32 $0xE180;
	s7 =	smul.u32 $0xD00, s6  }
0x6: {  	s13 =	simm.s32 $0x0;
	[smem:$0x7FF] =	sst s3;
	s6 =	smul.u32 $0x1A0, s6  }
0x7: {  	s4 =	ssub.s32 $0x2, s4;
	s1 =	rddreg [dreg:$0x2];
	_ =	strace $0x80000047  }
0x8: {  	s8 =	sshrl.u32 s4, $0x1;
	s7 =	sadd.s32 s7, s5;
	s6 =	sadd.s32 s6, s5  }
0x9: {  	v0 =	vimm.f32 $1.000000000e+00;
	s8 =	ssub.s32 s4, s8;
	s4 =	sadd.s32 $0x4200, s7;
	s5 =	sadd.s32 $0xE00, s6  }
0xa: {  	v0 =	vand.u32 $0x7FFFFFFF, v0;
	s6 =	sadd.s32 $0x38200, s6;
	s7 =	smax.u32 s8, $0x1;
	s8 =	simm.s32 $0x6800  }
.LBB2_1:
0xb: {  	[tilespmem:s3], [sflag:$0x1] =	stream.strided.gather [hbm4b:s4+s8], $0xD000, s9, s8, $0x38;
	[tilespmem:$0xEE80] =	vst v63  }
0xc: {  	_ =	swait.ge [sflag:s10], $0xD000  }
0xd: {  	[sflag:s10] =	ssyncset.done $0x0  }
0xe: {  	s15 =	simm.s32 $0xD000;
	[sflag:s10] =	ssyncadd.s32 $0xFFFF3000  }
0xf: {  	[tilespmem:s15], [sflag:$0x1] =	stream.linear.gather [hbm4b:s5+s3], $0xD00, $0x38;
	[tilespmem:$0xEE80] =	vst v63  }
0x10: {  	_ =	swait.ge [sflag:s10], $0xD00  }
0x11: {  	[sflag:s10] =	ssyncset.done $0x0  }
0x12: {  	[sflag:s10] =	ssyncadd.s32 $0xFFFFF300  }
0x13: {  	[tilespmem:s11], [sflag:$0x1] =	stream.linear.gather [hbm4b:s2+s3], $0x480, $0x38;
	[tilespmem:$0xEE80] =	vst v63  }
0x14: {  	_ =	swait.ge [sflag:s10], $0x480  }
0x15: {  	s14 =	sand.u32 $0x70, s3;
	s16 =	sand.u32 $0x7C00, s3;
	[sflag:s10] =	ssyncset.done $0x0  }
0x16: {  	s14 =	sor.u32 s14, s16;
	[sflag:s10] =	ssyncadd.s32 $0xFFFFFB80  }
0x17: {  	v1 =	vld [tilespmem:s14+$0x6B00]  }
0x18: {  	v2 =	vld [tilespmem:s14+$0x6A80]  }
0x19: {  	v3 =	vld [tilespmem:s14+$0x6A00]  }
0x1a: {  	v4 =	vld [tilespmem:s14+$0x6980]  }
0x1b: {  	s26 =	sand.u32 $0x7, s3;
	v5 =	vld [tilespmem:s14+$0x6900]  }
0x1c: {  	s16 =	sshll.u32 s26, $0x4;
	v6 =	vld [tilespmem:s14+$0x6880]  }
0x1d: {  	s16 =	sadd.s32 $0x0, s16;
	v7 =	vld [tilespmem:s14+$0x6800]  }
0x1e: {  	s28 =	sor.u32 $0x380, s16;
	v8 =	vld [tilespmem:s15+$0x0]  }
0x1f: {  	v9 =	vld [tilespmem:s28+$0x0]  }
0x20: {  	v10 =	vld [tilespmem:s14+$0x300]  }
0x21: {  	v11 =	vld [tilespmem:s14+$0x280]  }
0x22: {  	v12 =	vld [tilespmem:s14+$0x200]  }
0x23: {  	v13 =	vld [tilespmem:s14+$0x180];
	v14 =	vadd.s32 $0x30C, v8  }
0x24: {  	v15 =	vld [tilespmem:s14+$0x100];
	v16 =	vadd.s32 $0x34D, v8  }
0x25: {  	v17 =	vld [tilespmem:s14+$0x80];
	v18 =	vadd.s32 $0x208, v8  }
0x26: {  	v19 =	vld [tilespmem:s14+$0x0];
	v20 =	vadd.s32 $0x249, v8  }
0x27: {  	v22 =	vadd.s32 $0x104, v8;
	v21 =	vld.idx.msk [tilespmem:v8+s11+$0x0], $0xffff  }
0x28: {  	v23 =	vadd.s32 $0x145, v8;
	v14 =	vld.idx.msk [tilespmem:v14+s11+$0x0], $0xffff  }
0x29: {  	v24 =	vadd.s32 $0x41, v8;
	v16 =	vld.idx.msk [tilespmem:v16+s11+$0x0], $0xffff  }
0x2a: {  	v25 =	vadd.s32 $0x82, v8;
	v18 =	vld.idx.msk [tilespmem:v18+s11+$0x0], $0xffff  }
0x2b: {  	v26 =	vadd.s32 $0xC3, v8;
	v20 =	vld.idx.msk [tilespmem:v20+s11+$0x0], $0xffff  }
0x2c: {  	v27 =	vadd.s32 $0x186, v8;
	v22 =	vld.idx.msk [tilespmem:v22+s11+$0x0], $0xffff  }
0x2d: {  	v19 =	vsub.f32 v19, v21;
	v21 =	vld.idx.msk [tilespmem:v23+s11+$0x0], $0xffff;
	v23 =	vadd.s32 $0x1C7, v8  }
0x2e: {  	v28 =	vadd.s32 $0x28A, v8;
	v29 =	vadd.s32 $0x2CB, v8;
	v24 =	vld.idx.msk [tilespmem:v24+s11+$0x0], $0xffff  }
0x2f: {  	v25 =	vld.idx.msk [tilespmem:v25+s11+$0x0], $0xffff;
	v3 =	vsub.f32 v3, v14;
	v14 =	vadd.s32 $0x38E, v8;
	v2 =	vsub.f32 v2, v16  }
0x30: {  	v19 =	vmul.f32 $1.442695020e+00, v19;
	v16 =	vld.idx.msk [tilespmem:v26+s11+$0x0], $0xffff;
	v7 =	vsub.f32 v7, v18;
	v8 =	vadd.s32 $0x3CF, v8  }
0x31: {  	v18 =	vld.idx.msk [tilespmem:v27+s11+$0x0], $0xffff;
	v6 =	vsub.f32 v6, v20;
	v3 =	vmul.f32 $1.442695020e+00, v3;
	v2 =	vmul.f32 $1.442695020e+00, v2  }
0x32: {  	v12 =	vsub.f32 v12, v22;
	(erf) = vpow2.f32 v19;
	v7 =	vmul.f32 $1.442695020e+00, v7;
	v19 =	vld.idx.msk [tilespmem:v23+s11+$0x0], $0xffff  }
0x33: {  	v6 =	vmul.f32 $1.442695020e+00, v6;
	(erf) = vpow2.f32 v3;
	v3 =	vsub.f32 v11, v21;
	v11 =	vld.idx.msk [tilespmem:v28+s11+$0x0], $0xffff  }
0x34: {  	v12 =	vmul.f32 $1.442695020e+00, v12;
	(erf) = vpow2.f32 v2;
	v2 =	vsub.f32 v17, v24;
	v17 =	vld.idx.msk [tilespmem:v29+s11+$0x0], $0xffff  }
0x35: {  	v14 =	vld.idx.msk [tilespmem:v14+s11+$0x0], $0xffff;
	(erf) = vpow2.f32 v7;
	v7 =	vsub.f32 v15, v25;
	v3 =	vmul.f32 $1.442695020e+00, v3  }
0x36: {  	v8 =	vld.idx.msk [tilespmem:v8+s11+$0x0], $0xffff;
	(erf) = vpow2.f32 v6;
	v2 =	vmul.f32 $1.442695020e+00, v2;
	v6 =	vsub.f32 v13, v16  }
0x37: {  	v10 =	vsub.f32 v10, v18;
	(erf) = vpow2.f32 v12;
	v7 =	vmul.f32 $1.442695020e+00, v7;
	v12 =	vld [tilespmem:s14+$0x6B80]  }
0x38: {  	(erf) = vpow2.f32 v3;
	v3 =	vmul.f32 $1.442695020e+00, v6;
	v6 =	vsub.f32 v9, v19  }
0x39: {  	(erf) = vpow2.f32 v2;
	v2 =	vmul.f32 $1.442695020e+00, v10  }
0x3a: {  	v5 =	vsub.f32 v5, v11;
	v6 =	vmul.f32 $1.442695020e+00, v6  }
0x3b: {  	v4 =	vsub.f32 v4, v17;
	v1 =	vsub.f32 v1, v14;
	(erf) = vpow2.f32 v7  }
0x3c: {  	v7 =	vpop (erf);
	(erf) = vpow2.f32 v3;
	v3 =	vmul.f32 $1.442695020e+00, v5;
	v5 =	vsub.f32 v12, v8  }
0x3d: {  	v4 =	vmul.f32 $1.442695020e+00, v4;
	(erf) = vpow2.f32 v2;
	v2 =	vpop (erf)  }
0x3e: {  	v1 =	vmul.f32 $1.442695020e+00, v1;
	(erf) = vpow2.f32 v6;
	v6 =	vpop (erf)  }
0x3f: {  	(erf) = vpow2.f32 v3;
	v3 =	vmul.f32 $1.442695020e+00, v5;
	v8 =	vpop (erf)  }
0x40: {  	v5 =	vpop (erf)  }
0x41: {  	(erf) = vpow2.f32 v4;
	v4 =	vpop (erf)  }
0x42: {  	(erf) = vpow2.f32 v1;
	v1 =	vpop (erf)  }
0x43: {  	(erf) = vpow2.f32 v3;
	v3 =	vpop (erf)  }
0x44: {  	v7 =	vadd.f32 $0.0e+00, v7;
	v9 =	vpop (erf);
	v3 =	vadd.f32 $0.0e+00, v3  }
0x45: {  	v9 =	vadd.f32 $0.0e+00, v9  }
0x46: {  	v4 =	vadd.f32 v4, v7;
	v10 =	vpop (erf)  }
0x47: {  	v10 =	vadd.f32 $0.0e+00, v10;
	v11 =	vpop (erf)  }
0x48: {  	v4 =	vadd.f32 v8, v4;
	v1 =	vadd.f32 v1, v3;
	v3 =	vpop (erf)  }
0x49: {  	v7 =	vadd.f32 v11, v9;
	v3 =	vadd.f32 v3, v10;
	v9 =	vpop (erf)  }
0x4a: {  	v1 =	vadd.f32 v5, v1;
	v5 =	vpop (erf)  }
0x4b: {  	v7 =	vadd.f32 v9, v7;
	v3 =	vadd.f32 v5, v3;
	v5 =	vpop (erf)  }
0x4c: {  	v2 =	vadd.f32 v2, v4;
	v1 =	vadd.f32 v6, v1;
	v4 =	vpop (erf)  }
0x4d: {  	v5 =	vadd.f32 v5, v7;
	v3 =	vadd.f32 v4, v3;
	_ =	sdelay $0x1  }
0x4e: {  	v1 =	vadd.f32 v1, v2;
	v2 =	vadd.f32 v3, v5;
	_ =	sdelay $0x1  }
0x4f: {  	v1 =	vadd.f32 v2, v1;
	_ =	sdelay $0x1  }
0x50: {  	v1 =	vsub.f32 $0.0e+00, v1;
	_ =	sdelay $0x1  }
0x51: {  	v1 =	vmul.f32 $1.442695020e+00, v1;
	_ =	sdelay $0x1  }
0x52: {  	(erf) = vpow2.f32 v1;
	_ =	sdelay $0x8  }
0x53: {  	v1 =	vpop (erf)  }
0x54: {  	v1 =	vadd.f32 $1.000000000e+00, v1;
	_ =	sdelay $0x1  }
0x55: {  	(erf) = vrcp.f32 v1;
	_ =	sdelay $0x8  }
0x56: {  	v1 =	vpop (erf)  }
0x57: {  	v1 =	vadd.f32 $-5.000000000e-01, v1;
	_ =	sdelay $0x1  }
0x58: {  	v2 =	vand.u32 $0x80000000, v1;
	vm0 =	vlt.f32 v1, $0.0e+00;
	vm1 =	vgt.f32 v1, $0.0e+00  }
0x59: {  	v2 =	vor.u32 v2, v0;
	vm0 =	vmor vm1, vm0  }
0x5a: {  	s29 =	simm.s32 $0x10;
	s15 =	simm.s32 $0x80;
	v1 =	vsel vm0, v2, v1  }
0x5b: {  	s30 =	sand.u32 $0x7C00, s15;
	s14 =	sand.u32 $0x70, s29;
	v1 =	vmax.f32 v1, $0.0e+00  }
0x5c: {  	s19 =	sor.u32 s14, s30;
	[tilespmem:s12+$0x0] =	vst v1  }
0x5d: {  	v1 =	vld [tilespmem:s19+$0x6B00]  }
0x5e: {  	v7 =	vld [tilespmem:s19+$0x6A80]  }
0x5f: {  	v11 =	vld [tilespmem:s19+$0x6A00]  }
0x60: {  	s16 =	simm.s32 $0x1;
	v2 =	vld [tilespmem:s19+$0x6980]  }
0x61: {  	s31 =	sand.u32 $0x7, s16;
	v3 =	vld [tilespmem:s19+$0x6900]  }
0x62: {  	s14 =	sshll.u32 s31, $0x4;
	v9 =	vld [tilespmem:s19+$0x6880]  }
0x63: {  	s17 =	simm.s32 $0xD010;
	s14 =	sadd.s32 $0x80, s14;
	v13 =	vld [tilespmem:s19+$0x6800]  }
0x64: {  	s14 =	sor.u32 $0x380, s14;
	v14 =	vld [tilespmem:s17+$0x0]  }
0x65: {  	v4 =	vld [tilespmem:s14+$0x0]  }
0x66: {  	v5 =	vld [tilespmem:s19+$0x300]  }
0x67: {  	v10 =	vld [tilespmem:s19+$0x280]  }
0x68: {  	v15 =	vld [tilespmem:s19+$0x200]  }
0x69: {  	v6 =	vld [tilespmem:s19+$0x180];
	v19 =	vadd.s32 $0x30C, v14  }
0x6a: {  	v8 =	vld [tilespmem:s19+$0x100];
	v20 =	vadd.s32 $0x34D, v14  }
0x6b: {  	v12 =	vld [tilespmem:s19+$0x80];
	v17 =	vadd.s32 $0x208, v14  }
0x6c: {  	s18 =	simm.s32 $0x20;
	v16 =	vld [tilespmem:s19+$0x0];
	s14 =	simm.s32 $0xE180;
	v18 =	vadd.s32 $0x249, v14  }
.LBB2_2:
0x6d: {  	p0 =	sne.s32 s18, $0xCF0;
	v21 =	vld.idx.msk [tilespmem:v14+s11+$0x0], $0xffff;
	v22 =	vadd.s32 $0x104, v14  }
0x6e: {  	v23 =	vadd.s32 $0x145, v14;
	v19 =	vld.idx.msk [tilespmem:v19+s11+$0x0], $0xffff  }
0x6f: {  	v24 =	vadd.s32 $0x41, v14;
	v20 =	vld.idx.msk [tilespmem:v20+s11+$0x0], $0xffff  }
0x70: {  	v25 =	vadd.s32 $0x82, v14;
	v17 =	vld.idx.msk [tilespmem:v17+s11+$0x0], $0xffff  }
0x71: {  	v26 =	vadd.s32 $0xC3, v14;
	v18 =	vld.idx.msk [tilespmem:v18+s11+$0x0], $0xffff  }
0x72: {  	v27 =	vadd.s32 $0x186, v14;
	v22 =	vld.idx.msk [tilespmem:v22+s11+$0x0], $0xffff  }
0x73: {  	v16 =	vsub.f32 v16, v21;
	v21 =	vld.idx.msk [tilespmem:v23+s11+$0x0], $0xffff;
	v23 =	vadd.s32 $0x1C7, v14  }
0x74: {  	v28 =	vadd.s32 $0x28A, v14;
	v11 =	vsub.f32 v11, v19;
	v19 =	vadd.s32 $0x38E, v14;
	v24 =	vld.idx.msk [tilespmem:v24+s11+$0x0], $0xffff  }
0x75: {  	v29 =	vadd.s32 $0x2CB, v14;
	v16 =	vmul.f32 $1.442695020e+00, v16;
	v7 =	vsub.f32 v7, v20;
	v25 =	vld.idx.msk [tilespmem:v25+s11+$0x0], $0xffff  }
0x76: {  	v14 =	vadd.s32 $0x3CF, v14;
	v13 =	vsub.f32 v13, v17;
	v11 =	vmul.f32 $1.442695020e+00, v11;
	v20 =	vld.idx.msk [tilespmem:v26+s11+$0x0], $0xffff  }
0x77: {  	v9 =	vsub.f32 v9, v18;
	v7 =	vmul.f32 $1.442695020e+00, v7;
	v17 =	vld.idx.msk [tilespmem:v27+s11+$0x0], $0xffff;
	(erf) = vpow2.f32 v16  }
0x78: {  	v15 =	vsub.f32 v15, v22;
	v13 =	vmul.f32 $1.442695020e+00, v13;
	v16 =	vld.idx.msk [tilespmem:v23+s11+$0x0], $0xffff;
	(erf) = vpow2.f32 v11  }
0x79: {  	v10 =	vsub.f32 v10, v21;
	v9 =	vmul.f32 $1.442695020e+00, v9;
	v11 =	vld.idx.msk [tilespmem:v28+s11+$0x0], $0xffff;
	(erf) = vpow2.f32 v7  }
0x7a: {  	v7 =	vsub.f32 v12, v24;
	v12 =	vmul.f32 $1.442695020e+00, v15;
	v15 =	vld.idx.msk [tilespmem:v29+s11+$0x0], $0xffff;
	(erf) = vpow2.f32 v13  }
0x7b: {  	v8 =	vsub.f32 v8, v25;
	v10 =	vmul.f32 $1.442695020e+00, v10;
	v13 =	vld.idx.msk [tilespmem:v19+s11+$0x0], $0xffff;
	(erf) = vpow2.f32 v9  }
0x7c: {  	v7 =	vmul.f32 $1.442695020e+00, v7;
	v6 =	vsub.f32 v6, v20;
	v9 =	vld.idx.msk [tilespmem:v14+s11+$0x0], $0xffff;
	(erf) = vpow2.f32 v12  }
0x7d: {  	v8 =	vmul.f32 $1.442695020e+00, v8;
	v5 =	vsub.f32 v5, v17;
	v12 =	vld [tilespmem:s19+$0x6B80];
	(erf) = vpow2.f32 v10  }
0x7e: {  	v6 =	vmul.f32 $1.442695020e+00, v6;
	v4 =	vsub.f32 v4, v16;
	(erf) = vpow2.f32 v7  }
0x7f: {  	v10 =	vmul.f32 $1.442695020e+00, v5;
	v3 =	vsub.f32 v3, v11;
	(erf) = vpow2.f32 v8  }
0x80: {  	v14 =	vmul.f32 $1.442695020e+00, v4;
	v2 =	vsub.f32 v2, v15;
	v7 =	vpop (erf);
	(erf) = vpow2.f32 v6  }
0x81: {  	v3 =	vmul.f32 $1.442695020e+00, v3;
	v1 =	vsub.f32 v1, v13;
	(erf) = vpow2.f32 v10;
	v5 =	vpop (erf)  }
0x82: {  	v10 =	vmul.f32 $1.442695020e+00, v2;
	v9 =	vsub.f32 v12, v9;
	(erf) = vpow2.f32 v14;
	v4 =	vpop (erf)  }
0x83: {  	v11 =	vmul.f32 $1.442695020e+00, v1;
	v8 =	vpop (erf);
	(erf) = vpow2.f32 v3  }
0x84: {  	v9 =	vmul.f32 $1.442695020e+00, v9;
	v6 =	vpop (erf);
	(erf) = vpow2.f32 v10  }
0x85: {  	v2 =	vpop (erf);
	(erf) = vpow2.f32 v11  }
0x86: {  	v1 =	vpop (erf);
	(erf) = vpow2.f32 v9  }
0x87: {  	v3 =	vpop (erf)  }
0x88: {  	v9 =	vpop (erf)  }
0x89: {  	v7 =	vadd.f32 $0.0e+00, v7;
	v12 =	vadd.f32 $0.0e+00, v3;
	v10 =	vpop (erf)  }
0x8a: {  	v13 =	vadd.f32 $0.0e+00, v9;
	v10 =	vadd.f32 $0.0e+00, v10;
	v11 =	vpop (erf)  }
0x8b: {  	v2 =	vadd.f32 v2, v7;
	v1 =	vadd.f32 v1, v12;
	v3 =	vpop (erf)  }
0x8c: {  	v7 =	vadd.f32 v11, v13;
	v3 =	vadd.f32 v3, v10;
	v9 =	vpop (erf)  }
0x8d: {  	v2 =	vadd.f32 v8, v2;
	v1 =	vadd.f32 v6, v1;
	v6 =	vpop (erf)  }
0x8e: {  	v7 =	vadd.f32 v9, v7;
	v3 =	vadd.f32 v6, v3;
	v6 =	vpop (erf)  }
0x8f: {  	v2 =	vadd.f32 v5, v2;
	v1 =	vadd.f32 v4, v1;
	v4 =	vpop (erf)  }
0x90: {  	v5 =	vadd.f32 v6, v7;
	v3 =	vadd.f32 v4, v3;
	_ =	sdelay $0x1  }
0x91: {  	v1 =	vadd.f32 v1, v2;
	v2 =	vadd.f32 v3, v5;
	_ =	sdelay $0x1  }
0x92: {  	v1 =	vadd.f32 v2, v1;
	_ =	sdelay $0x1  }
0x93: {  	v1 =	vsub.f32 $0.0e+00, v1;
	_ =	sdelay $0x1  }
0x94: {  	v1 =	vmul.f32 $1.442695020e+00, v1;
	_ =	sdelay $0x1  }
0x95: {  	(erf) = vpow2.f32 v1;
	_ =	sdelay $0x8  }
0x96: {  	v1 =	vpop (erf)  }
0x97: {  	v1 =	vadd.f32 $1.000000000e+00, v1;
	_ =	sdelay $0x1  }
0x98: {  	(erf) = vrcp.f32 v1;
	_ =	sdelay $0x8  }
0x99: {  	v1 =	vpop (erf)  }
0x9a: {  	v1 =	vadd.f32 $-5.000000000e-01, v1;
	_ =	sdelay $0x1  }
0x9b: {  	v2 =	vand.u32 $0x80000000, v1;
	vm0 =	vlt.f32 v1, $0.0e+00;
	vm1 =	vgt.f32 v1, $0.0e+00  }
0x9c: {  	v2 =	vor.u32 v2, v0;
	vm0 =	vmor vm1, vm0  }
0x9d: {  	s15 =	sadd.s32 $0x80, s15;
	v1 =	vsel vm0, v2, v1  }
0x9e: {  	s14 =	sadd.s32 $0x10, s14;
	s20 =	sand.u32 $0x7C00, s15;
	s19 =	sand.u32 $0x70, s18;
	v1 =	vmax.f32 v1, $0.0e+00  }
0x9f: {  	s19 =	sor.u32 s19, s20;
	[tilespmem:s14+$0x0] =	vst v1  }
0xa0: {  	v1 =	vld [tilespmem:s19+$0x6B00]  }
0xa1: {  	v7 =	vld [tilespmem:s19+$0x6A80]  }
0xa2: {  	v11 =	vld [tilespmem:s19+$0x6A00]  }
0xa3: {  	s16 =	sadd.s32 $0x1, s16;
	v2 =	vld [tilespmem:s19+$0x6980]  }
0xa4: {  	s20 =	sand.u32 $0x7, s16;
	v3 =	vld [tilespmem:s19+$0x6900]  }
0xa5: {  	s20 =	sshll.u32 s20, $0x4;
	v9 =	vld [tilespmem:s19+$0x6880]  }
0xa6: {  	s17 =	sadd.s32 $0x10, s17;
	s20 =	sadd.s32 s20, s15;
	v13 =	vld [tilespmem:s19+$0x6800]  }
0xa7: {  	s20 =	sor.u32 $0x380, s20;
	v14 =	vld [tilespmem:s17+$0x0]  }
0xa8: {  	v4 =	vld [tilespmem:s20+$0x0]  }
0xa9: {  	v5 =	vld [tilespmem:s19+$0x300]  }
0xaa: {  	v10 =	vld [tilespmem:s19+$0x280]  }
.Ltmp0:
0xab: {  	v15 =	vld [tilespmem:s19+$0x200];
	(pc) =	sbr.rel @p0 .LBB2_2-.Ltmp0, $4  }
0xac: {  	v6 =	vld [tilespmem:s19+$0x180];
	v19 =	vadd.s32 $0x30C, v14  }
0xad: {  	v20 =	vadd.s32 $0x34D, v14;
	v8 =	vld [tilespmem:s19+$0x100]  }
0xae: {  	v17 =	vadd.s32 $0x208, v14;
	v12 =	vld [tilespmem:s19+$0x80]  }
0xaf: {  	s18 =	sadd.s32 $0x10, s18;
	v18 =	vadd.s32 $0x249, v14;
	v16 =	vld [tilespmem:s19+$0x0]  }
0xb0: {  	_ =	sdelay $0x3  }
0xb1: {  	v21 =	vld.idx.msk [tilespmem:v14+s11+$0x0], $0xffff  }
0xb2: {  	v22 =	vadd.s32 $0x104, v14;
	v19 =	vld.idx.msk [tilespmem:v19+s11+$0x0], $0xffff  }
0xb3: {  	v23 =	vadd.s32 $0x145, v14;
	v20 =	vld.idx.msk [tilespmem:v20+s11+$0x0], $0xffff  }
0xb4: {  	v24 =	vadd.s32 $0x41, v14;
	v17 =	vld.idx.msk [tilespmem:v17+s11+$0x0], $0xffff  }
0xb5: {  	v25 =	vadd.s32 $0x82, v14;
	v18 =	vld.idx.msk [tilespmem:v18+s11+$0x0], $0xffff  }
0xb6: {  	v26 =	vadd.s32 $0xC3, v14;
	v48 =	vld [tilespmem:s19+$0x6B80]  }
0xb7: {  	v27 =	vadd.s32 $0x186, v14;
	v36 =	vadd.s32 $0x1C7, v14;
	v22 =	vld.idx.msk [tilespmem:v22+s11+$0x0], $0xffff  }
0xb8: {  	v28 =	vadd.s32 $0x28A, v14;
	v37 =	vadd.s32 $0x38E, v14;
	v16 =	vsub.f32 v16, v21;
	v35 =	vld.idx.msk [tilespmem:v23+s11+$0x0], $0xffff  }
0xb9: {  	v29 =	vadd.s32 $0x2CB, v14;
	v24 =	vld.idx.msk [tilespmem:v24+s11+$0x0], $0xffff;
	v11 =	vsub.f32 v11, v19;
	v7 =	vsub.f32 v7, v20  }
0xba: {  	v39 =	vadd.s32 $0x3CF, v14;
	v25 =	vld.idx.msk [tilespmem:v25+s11+$0x0], $0xffff;
	v13 =	vsub.f32 v13, v17;
	v16 =	vmul.f32 $1.442695020e+00, v16  }
0xbb: {  	v38 =	vld.idx.msk [tilespmem:v26+s11+$0x0], $0xffff;
	v9 =	vsub.f32 v9, v18;
	v11 =	vmul.f32 $1.442695020e+00, v11;
	v7 =	vmul.f32 $1.442695020e+00, v7  }
0xbc: {  	v40 =	vld.idx.msk [tilespmem:v27+s11+$0x0], $0xffff;
	v13 =	vmul.f32 $1.442695020e+00, v13;
	(erf) = vpow2.f32 v16;
	v15 =	vsub.f32 v15, v22  }
0xbd: {  	v41 =	vld.idx.msk [tilespmem:v36+s11+$0x0], $0xffff;
	v9 =	vmul.f32 $1.442695020e+00, v9;
	(erf) = vpow2.f32 v11;
	v10 =	vsub.f32 v10, v35  }
0xbe: {  	v42 =	vld.idx.msk [tilespmem:v28+s11+$0x0], $0xffff;
	v43 =	vsub.f32 v12, v24;
	(erf) = vpow2.f32 v7;
	v44 =	vmul.f32 $1.442695020e+00, v15  }
0xbf: {  	v45 =	vld.idx.msk [tilespmem:v29+s11+$0x0], $0xffff;
	v8 =	vsub.f32 v8, v25;
	(erf) = vpow2.f32 v13;
	v10 =	vmul.f32 $1.442695020e+00, v10  }
0xc0: {  	v46 =	vld.idx.msk [tilespmem:v37+s11+$0x0], $0xffff;
	v6 =	vsub.f32 v6, v38;
	v7 =	vmul.f32 $1.442695020e+00, v43;
	(erf) = vpow2.f32 v9  }
0xc1: {  	v47 =	vld.idx.msk [tilespmem:v39+s11+$0x0], $0xffff;
	v5 =	vsub.f32 v5, v40;
	v8 =	vmul.f32 $1.442695020e+00, v8;
	(erf) = vpow2.f32 v44  }
0xc2: {  	v4 =	vsub.f32 v4, v41;
	v6 =	vmul.f32 $1.442695020e+00, v6;
	(erf) = vpow2.f32 v10  }
0xc3: {  	v3 =	vsub.f32 v3, v42;
	v5 =	vmul.f32 $1.442695020e+00, v5;
	(erf) = vpow2.f32 v7  }
0xc4: {  	v2 =	vsub.f32 v2, v45;
	v4 =	vmul.f32 $1.442695020e+00, v4;
	(erf) = vpow2.f32 v8  }
0xc5: {  	v1 =	vsub.f32 v1, v46;
	v3 =	vmul.f32 $1.442695020e+00, v3;
	v49 =	vpop (erf);
	(erf) = vpow2.f32 v6  }
0xc6: {  	v51 =	vsub.f32 v48, v47;
	v2 =	vmul.f32 $1.442695020e+00, v2;
	(erf) = vpow2.f32 v5;
	v50 =	vpop (erf)  }
0xc7: {  	v1 =	vmul.f32 $1.442695020e+00, v1;
	(erf) = vpow2.f32 v4;
	v52 =	vpop (erf)  }
0xc8: {  	v53 =	vpop (erf);
	(erf) = vpow2.f32 v3;
	v3 =	vmul.f32 $1.442695020e+00, v51  }
0xc9: {  	v54 =	vpop (erf)  }
0xca: {  	(erf) = vpow2.f32 v2;
	v2 =	vpop (erf)  }
0xcb: {  	(erf) = vpow2.f32 v1;
	v1 =	vpop (erf)  }
0xcc: {  	(erf) = vpow2.f32 v3;
	v3 =	vpop (erf)  }
0xcd: {  	v3 =	vadd.f32 $0.0e+00, v3  }
0xce: {  	v55 =	vpop (erf)  }
0xcf: {  	v7 =	vadd.f32 $0.0e+00, v49;
	v56 =	vpop (erf)  }
0xd0: {  	v9 =	vadd.f32 $0.0e+00, v55;
	v10 =	vadd.f32 $0.0e+00, v56;
	v57 =	vpop (erf)  }
0xd1: {  	v2 =	vadd.f32 v2, v7;
	v1 =	vadd.f32 v1, v3;
	v3 =	vpop (erf)  }
0xd2: {  	v58 =	vadd.f32 v57, v9;
	v3 =	vadd.f32 v3, v10;
	v59 =	vpop (erf)  }
0xd3: {  	v2 =	vadd.f32 v53, v2;
	v1 =	vadd.f32 v54, v1;
	v60 =	vpop (erf)  }
0xd4: {  	v7 =	vadd.f32 v59, v58;
	v3 =	vadd.f32 v60, v3;
	v61 =	vpop (erf)  }
0xd5: {  	v2 =	vadd.f32 v50, v2;
	v1 =	vadd.f32 v52, v1;
	v62 =	vpop (erf)  }
0xd6: {  	v63 =	vadd.f32 v61, v7;
	v3 =	vadd.f32 v62, v3;
	_ =	sdelay $0x1  }
0xd7: {  	v1 =	vadd.f32 v1, v2;
	v2 =	vadd.f32 v3, v63;
	_ =	sdelay $0x1  }
0xd8: {  	v1 =	vadd.f32 v2, v1;
	_ =	sdelay $0x1  }
0xd9: {  	v1 =	vsub.f32 $0.0e+00, v1;
	_ =	sdelay $0x1  }
0xda: {  	v1 =	vmul.f32 $1.442695020e+00, v1;
	_ =	sdelay $0x1  }
0xdb: {  	(erf) = vpow2.f32 v1;
	_ =	sdelay $0x8  }
0xdc: {  	v1 =	vpop (erf)  }
0xdd: {  	v1 =	vadd.f32 $1.000000000e+00, v1;
	_ =	sdelay $0x1  }
0xde: {  	(erf) = vrcp.f32 v1;
	_ =	sdelay $0x8  }
0xdf: {  	v1 =	vpop (erf)  }
0xe0: {  	v1 =	vadd.f32 $-5.000000000e-01, v1;
	_ =	sdelay $0x1  }
0xe1: {  	v2 =	vand.u32 $0x80000000, v1;
	vm0 =	vlt.f32 v1, $0.0e+00;
	vm1 =	vgt.f32 v1, $0.0e+00  }
0xe2: {  	v2 =	vor.u32 v2, v0;
	vm0 =	vmor vm1, vm0  }
0xe3: {  	s13 =	sadd.s32 $0x1, s13;
	v1 =	vsel vm0, v2, v1  }
0xe4: {  	s14 =	sadd.s32 $0x10, s14;
	p0 =	sne.s32 s13, s7;
	v1 =	vmax.f32 v1, $0.0e+00  }
.Ltmp1:
0xe5: {  	[tilespmem:s14+$0x0] =	vst v1;
	(pc) =	sbr.rel @p0 .LBB2_1-.Ltmp1, $4  }
0xe6: {  	[hbm4b:s6+s3] =	stream.linear.scatter [tilespmem:s12], [sflag:$0x1], $0xD00, $0x38;
	[tilespmem:$0xEE80] =	vst v63  }
0xe7: {  	_ =	swait.ge [sflag:s10], $0xD00  }
0xe8: {  	[sflag:s10] =	ssyncset.done $0x0  }
0xe9: {  	[sflag:s10] =	ssyncadd.s32 $0xFFFFF300  }
0xea: {  	_ =	sfence.sel $0x180000  }
0xeb: {  	[bflag:$0x0] =	sbarrier.arrive $0xFFFF  }
0xec: {  	p0 =	sne.s32 s0, $0x0;
	_ =	strace $0x90000047  }
0xed: {  	s0 =	sadd.s32 @!p0 $0x100000, s1;
	[bflag:$0x2] =	sbarrier.arrive $0xFFFF  }
0xee: {  	[sflag:s0] =	ssyncadd.tile.s32 @!p0 $0x1;
	_ =	shalt  }
.Lfunc_end2:
_tile_overlayer_lowered:
.L_overlay_start_2:
0xef: {  	(tag) =	ssettag $0x2  }
0xf0: {  	s0 =	rddreg [dreg:$0x0];
	s2 =	stileid.u32  }
0xf1: {  	s1 =	rddreg [dreg:$0x1];
	p0 =	sne.s32 s2, $0x0  }
0xf2: {  	s3 =	rddreg [dreg:$0x2];
	[bflag:$0x3] =	sbarrier.arrive $0xFFFF;
	s2 =	simm.s32 @!p0 $0x1C01  }
0xf3: {  	[timem:s3], [sflag:s2] =	dma.local @!p0 [hbm:s0], s1  }
0xf4: {  	s0 =	simm.s32 @!p0 $0x1  }
0xf5: {  	_ =	swait.ge @!p0 [sflag:s0], s1  }
0xf6: {  	s1 =	ssub.s32 @!p0 $0x0, s1;
	[sflag:s0] =	ssyncset.done @!p0 $0x0  }
0xf7: {  	[sflag:s0] =	ssyncadd.s32 @!p0 s1  }
0xf8: {  	[bflag:$0x3] =	sbarrier.arrive $0xFFFF  }
0xf9: {  	_ =	shalt  }

</sc_bundles>
